<compile_context>
chip_gen: v7x
topology: tpu7x:2x2x1
jax: 0.10.2.dev20260603
libtpu: 0.0.44.dev20260713+nightly
codegen_flags: <defaults>
</compile_context>

<pallas_src>
import functools

import jax
import jax.numpy as jnp
from jax import lax
from jax.experimental import pallas as pl
from jax.experimental.pallas import tpu as pltpu
from jax.experimental.pallas import tpu_sc as plsc

N = 50000
D = 256
NK = 12500
NKP = 12544
K = 6
NE = NK * K
NEP = NKP * K
PW = 128

NC = 2
NS = 16
NW = NC * NS
B1 = NKP // NW
C1A, C1B = 200, 192
B2 = NEP // NW
C2 = 784

BQ = 256
BE = 768



@functools.cache
def _sc_kernels():
    mesh = plsc.VectorSubcoreMesh(core_axis_name="c", subcore_axis_name="s")

    @functools.partial(
        pl.kernel,
        out_type=[
            jax.ShapeDtypeStruct((NKP, D), jnp.float32),
            jax.ShapeDtypeStruct((NKP, PW), jnp.float32),
        ],
        mesh=mesh,
        scratch_types=[
            pltpu.VMEM((C1A,), jnp.int32),
            pltpu.VMEM((C1B,), jnp.int32),
            pltpu.VMEM((C1A, D), jnp.float32),
            pltpu.VMEM((C1A, PW), jnp.float32),
            pltpu.SemaphoreType.DMA,
            pltpu.SemaphoreType.DMA,
        ],
    )
    def sc_gather_xpos(x_hbm, pos_hbm, idx_hbm, xg_hbm, pg_hbm,
                       idx0_v, idx1_v, xr_v, pr_v, s1, s2):
        wid = lax.axis_index("s") * NC + lax.axis_index("c")
        base = wid * B1
        pltpu.sync_copy(idx_hbm.at[pl.ds(base, C1A)], idx0_v)
        pltpu.sync_copy(idx_hbm.at[pl.ds(base + C1A, C1B)], idx1_v)
        c1 = pltpu.async_copy(x_hbm.at[idx0_v], xr_v, s1)
        c2 = pltpu.async_copy(pos_hbm.at[idx0_v], pr_v, s2)
        c1.wait()
        c2.wait()
        pltpu.sync_copy(xr_v, xg_hbm.at[pl.ds(base, C1A)])
        pltpu.sync_copy(pr_v, pg_hbm.at[pl.ds(base, C1A)])
        c1 = pltpu.async_copy(x_hbm.at[idx1_v], xr_v.at[pl.ds(0, C1B)], s1)
        c2 = pltpu.async_copy(pos_hbm.at[idx1_v], pr_v.at[pl.ds(0, C1B)], s2)
        c1.wait()
        c2.wait()
        pltpu.sync_copy(xr_v.at[pl.ds(0, C1B)], xg_hbm.at[pl.ds(base + C1A, C1B)])
        pltpu.sync_copy(pr_v.at[pl.ds(0, C1B)], pg_hbm.at[pl.ds(base + C1A, C1B)])

    @functools.partial(
        pl.kernel,
        out_type=jax.ShapeDtypeStruct((NEP, PW), jnp.float32),
        mesh=mesh,
        scratch_types=[
            pltpu.VMEM((C2,), jnp.int32),
            pltpu.VMEM((C2,), jnp.int32),
            pltpu.VMEM((C2,), jnp.int32),
            pltpu.VMEM((C2, PW), jnp.float32),
            pltpu.SemaphoreType.DMA,
        ],
    )
    def sc_gather_nbr(pg_hbm, idx_hbm, ps_hbm, i0_v, i1_v, i2_v, pr_v, s1):
        wid = lax.axis_index("s") * NC + lax.axis_index("c")
        base = wid * B2
        pltpu.sync_copy(idx_hbm.at[pl.ds(base, C2)], i0_v)
        pltpu.sync_copy(idx_hbm.at[pl.ds(base + C2, C2)], i1_v)
        pltpu.sync_copy(idx_hbm.at[pl.ds(base + 2 * C2, C2)], i2_v)
        for k, iv in enumerate((i0_v, i1_v, i2_v)):
            pltpu.async_copy(pg_hbm.at[iv], pr_v, s1).wait()
            pltpu.sync_copy(pr_v, ps_hbm.at[pl.ds(base + k * C2, C2)])

    return sc_gather_xpos, sc_gather_nbr



def _mm_body(x_ref, w_ref, b_ref, o_ref):
    o_ref[...] = (
        jnp.dot(x_ref[...], w_ref[...], preferred_element_type=jnp.float32)
        + b_ref[0:1, :]
    )


_matmul = pl.pallas_call(
    _mm_body,
    grid=(NKP // 256,),
    in_specs=[
        pl.BlockSpec((256, D), lambda i: (i, 0)),
        pl.BlockSpec((D, D), lambda i: (0, 0)),
        pl.BlockSpec((8, D), lambda i: (0, 0)),
    ],
    out_specs=pl.BlockSpec((256, D), lambda i: (i, 0)),
    out_shape=jax.ShapeDtypeStruct((NKP, D), jnp.float32),
)


def _knn_body(q_ref, pT_ref, o_ref):
    i = pl.program_id(0)
    px = pT_ref[0:1, :]
    py = pT_ref[1:2, :]
    pz = pT_ref[2:3, :]
    sq = (px * px + py * py) + pz * pz
    qx = q_ref[:, 0:1]
    qy = q_ref[:, 1:2]
    qz = q_ref[:, 2:3]
    qsq = (qx * qx + qy * qy) + qz * qz

    bf = lambda v: v.astype(jnp.bfloat16).astype(jnp.float32)
    dot = (bf(qx) * bf(px) + bf(qy) * bf(py)) + bf(qz) * bf(pz)
    d = qsq + sq - 2.0 * dot

    colio = lax.broadcasted_iota(jnp.int32, (BQ, NKP), 1)
    rows = i * BQ + lax.broadcasted_iota(jnp.int32, (BQ, NKP), 0)
    inf = jnp.float32(jnp.inf)
    d = jnp.where(colio == rows, inf, d)
    d = jnp.where(colio >= NK, inf, d)

    big = jnp.int32(2 ** 30)
    picks = []
    for _ in range(K):
        m = jnp.min(d, axis=1, keepdims=True)
        cand = jnp.where(d == m, colio, big)
        amin = jnp.min(cand, axis=1, keepdims=True)
        picks.append(amin)
        d = jnp.where(colio == amin, inf, d)
    picks.append(jnp.zeros((BQ, 1), jnp.int32))
    picks.append(jnp.zeros((BQ, 1), jnp.int32))
    o_ref[...] = jnp.concatenate(picks, axis=1)


_knn = pl.pallas_call(
    _knn_body,
    grid=(NKP // BQ,),
    in_specs=[
        pl.BlockSpec((BQ, 3), lambda i: (i, 0)),
        pl.BlockSpec((3, NKP), lambda i: (0, 0)),
    ],
    out_specs=pl.BlockSpec((BQ, 8), lambda i: (i, 0)),
    out_shape=jax.ShapeDtypeStruct((NKP, 8), jnp.int32),
)


def _edge_body(ps_ref, pq_ref, o1_ref, o2_ref):
    rel = ps_ref[...] - pq_ref[...]
    nsq = jnp.sum(rel * rel, axis=1, keepdims=True)
    n = jnp.sqrt(nsq)
    o1_ref[...] = jnp.concatenate([rel, n], axis=1)
    o2_ref[...] = jnp.concatenate([-rel, n], axis=1)


_edges = pl.pallas_call(
    _edge_body,
    grid=(NEP // BE,),
    in_specs=[
        pl.BlockSpec((BE, 3), lambda i: (i, 0)),
        pl.BlockSpec((BE, 3), lambda i: (i, 0)),
    ],
    out_specs=[
        pl.BlockSpec((BE, 4), lambda i: (i, 0)),
        pl.BlockSpec((BE, 4), lambda i: (i, 0)),
    ],
    out_shape=[
        jax.ShapeDtypeStruct((NEP, 4), jnp.float32),
        jax.ShapeDtypeStruct((NEP, 4), jnp.float32),
    ],
)


def kernel(x, pos, select_weight, lin_W, lin_b):
    score = x @ select_weight
    score = jax.nn.softmax(score / jnp.linalg.norm(select_weight))
    _, perm = lax.top_k(score, NK)

    perm_p = jnp.concatenate([perm, jnp.zeros((NKP - NK,), perm.dtype)])
    pos_p = jnp.pad(pos, ((0, 0), (0, PW - 3)))

    sc_gather_xpos, sc_gather_nbr = _sc_kernels()
    xg, pg = sc_gather_xpos(x, pos_p, perm_p)

    b8 = jnp.broadcast_to(lin_b, (8, D))
    xc_p = _matmul(xg, lin_W.T, b8)

    q = pg[:, :3]
    nbr = _knn(q, q.T)

    nbr_flat = nbr[:, :K].reshape(NEP)
    ps = sc_gather_nbr(pg, nbr_flat)
    pq3 = jnp.repeat(pg[:, :3], K, axis=0)
    attr_fwd, attr_rev = _edges(ps[:, :3], pq3)

    x_c = xc_p[:NK]
    pos_c = pg[:NK, :3]
    col = nbr_flat[:NE]
    row = jnp.repeat(jnp.arange(NK, dtype=perm.dtype), K)
    senders = jnp.concatenate([col, row])
    receivers = jnp.concatenate([row, col])
    edge_index = jnp.stack([senders, receivers])
    edge_attr = jnp.concatenate([attr_fwd[:NE], attr_rev[:NE]], axis=0)
    return x_c, pos_c, edge_index, edge_attr

# --- scband reference (transcript-rebuilt; emitter-appended) ---
"""Pipeline reference for scband-down-sampler-21225728377362 (READ-ONLY COPY).

The authoritative reference and input builder live on the scoring server;
editing this copy changes nothing except your own understanding.
"""

import jax, jax.numpy as jnp
import numpy as np

N = 50000
D_IN = 256
D_OUT = 256
RATIO = 0.25
K = 6
CHUNK = 2500


def setup_inputs(seed: int = 0) -> dict:
    key = jax.random.key(seed)
    k1, k2, k3, k4, k5 = jax.random.split(key, 5)
    x = jax.random.normal(k1, (N, D_IN), dtype=jnp.float32)
    pos = jax.random.normal(k2, (N, 3), dtype=jnp.float32)
    # SelectTopK learnable scoring weight (torch_geometric stores it as [1, in_channels])
    select_weight = jax.random.normal(k3, (D_IN,), dtype=jnp.float32) * 0.05
    # nn.Linear(d_in, d_out) params
    lin_W = jax.random.normal(k4, (D_OUT, D_IN), dtype=jnp.float32) * (1.0 / np.sqrt(D_IN))
    lin_b = jax.random.normal(k5, (D_OUT,), dtype=jnp.float32) * 0.01
    return {"x": x, "pos": pos, "select_weight": select_weight, "lin_W": lin_W, "lin_b": lin_b}


def _knn_indices(pos, k):
    # knn_graph(pos, k, loop=False): for each node, k nearest neighbors (self excluded)
    n = pos.shape[0]
    sq = jnp.sum(pos * pos, axis=-1)
    starts = jnp.arange(0, n, CHUNK)

    def body(start):
        q = jax.lax.dynamic_slice_in_dim(pos, start, CHUNK, 0)
        qsq = jax.lax.dynamic_slice_in_dim(sq, start, CHUNK, 0)
        d = qsq[:, None] + sq[None, :] - 2.0 * (q @ pos.T)
        rows = start + jnp.arange(CHUNK)
        d = d.at[jnp.arange(CHUNK), rows].set(jnp.inf)  # exclude self-loop
        _, idx = jax.lax.top_k(-d, k)
        return idx

    idxs = jax.lax.map(body, starts)
    return idxs.reshape(n, k)


def reference(x, pos, select_weight, lin_W, lin_b):
    # --- SelectTopK(d_in, ratio, min_score=None, act='softmax') ---
    score = x @ select_weight
    score = jax.nn.softmax(score / jnp.linalg.norm(select_weight))
    n_keep = int(np.ceil(RATIO * N))
    _, perm = jax.lax.top_k(score, n_keep)

    # --- coarse graph ---
    x_c = x[perm] @ lin_W.T + lin_b
    pos_c = pos[perm]

    # --- KNNGraph(k=K, force_undirected=True) ---
    nbr = _knn_indices(pos_c, K)              # [n_keep, K]
    row = jnp.repeat(jnp.arange(n_keep), K)   # query node
    col = nbr.reshape(-1)                     # neighbor node
    senders = jnp.concatenate([col, row])     # both directions (undirected)
    receivers = jnp.concatenate([row, col])
    edge_index = jnp.stack([senders, receivers])

    # --- _build_edge_features ---
    rel_pos = pos_c[senders] - pos_c[receivers]
    rel_norm = jnp.linalg.norm(rel_pos, axis=-1, keepdims=True)
    edge_attr = jnp.concatenate([rel_pos, rel_norm], axis=-1)

    return x_c, pos_c, edge_index, edge_attr

if __name__ == "__main__":
    import jax
    _d = setup_inputs()
    print(jax.jit(kernel)(*tuple(_d.values())))

</pallas_src>

<mosaic_0001>
#map = affine_map<(d0, d1) -> (0, 0)>
#map1 = affine_map<(d0, d1) -> (0)>
module attributes {stable_mosaic.version = 14 : i64} {
  func.func @sc_gather_xpos(%arg0: i32, %arg1: i32, %arg2: memref<50000x256xf32, #tpu.memory_space<hbm>>, %arg3: memref<50000x128xf32, #tpu.memory_space<hbm>>, %arg4: memref<12544xi32, #tpu.memory_space<hbm>>, %arg5: memref<12544x256xf32, #tpu.memory_space<hbm>>, %arg6: memref<12544x128xf32, #tpu.memory_space<hbm>>, %arg7: memref<200xi32, #tpu.memory_space<vmem>>, %arg8: memref<192xi32, #tpu.memory_space<vmem>>, %arg9: memref<200x256xf32, #tpu.memory_space<vmem>>, %arg10: memref<200x128xf32, #tpu.memory_space<vmem>>, %arg11: memref<!tpu.dma_semaphore, #tpu.memory_space<semaphore_mem>>, %arg12: memref<!tpu.dma_semaphore, #tpu.memory_space<semaphore_mem>>) attributes {dimension_semantics = [#tpu.dimension_semantics<core_parallel>, #tpu.dimension_semantics<subcore_parallel>], iteration_bounds = array<i64: 2, 16>, scalar_prefetch = 0 : i64, scratch_operands = 6 : i64, tpu.core_type = #tpu.core_type<sc_vector_subcore>, window_params = [{transform_indices = #map}, {transform_indices = #map}, {transform_indices = #map1}, {transform_indices = #map}, {transform_indices = #map}]} {
    %mul3A = arith.constant 2 : i32
    %mul3A_0 = arith.muli %arg1, %mul3A : i32
    %add3A = arith.addi %mul3A_0, %arg0 : i32
    %mul3A_1 = arith.constant 392 : i32
    %mul3A_2 = arith.muli %add3A, %mul3A_1 : i32
    "tpu.region"() ({
      %run_scoped3A = tpu.sem_alloc : memref<!tpu.dma_semaphore, #tpu.memory_space<semaphore_mem>>
      %dma_start3A_43 = tpu.memref_slice %arg4[%mul3A_2] : memref<12544xi32, #tpu.memory_space<hbm>> -> memref<200xi32, #tpu.memory_space<hbm>>
      %dma_start3A_44 = tpu.memref_slice %arg4[%mul3A_2] : memref<12544xi32, #tpu.memory_space<hbm>> -> memref<200xi32, #tpu.memory_space<hbm>>
      tpu.enqueue_dma source(%dma_start3A_44 : memref<200xi32, #tpu.memory_space<hbm>>) target(%arg7 : memref<200xi32, #tpu.memory_space<vmem>>) target_semaphore(%run_scoped3A : memref<!tpu.dma_semaphore, #tpu.memory_space<semaphore_mem>>)
      %dma_wait3A_45 = tpu.memref_slice %arg4[%mul3A_2] : memref<12544xi32, #tpu.memory_space<hbm>> -> memref<200xi32, #tpu.memory_space<hbm>>
      %dma_wait3A_46 = tpu.memref_slice %arg4[%mul3A_2] : memref<12544xi32, #tpu.memory_space<hbm>> -> memref<200xi32, #tpu.memory_space<hbm>>
      tpu.wait_dma2 semaphore(%run_scoped3A : memref<!tpu.dma_semaphore, #tpu.memory_space<semaphore_mem>>) src(%dma_wait3A_46 : memref<200xi32, #tpu.memory_space<hbm>>) dst(%arg7 : memref<200xi32, #tpu.memory_space<vmem>>)
      tpu.yield
    }) : () -> ()
    %add3A_3 = arith.constant 200 : i32
    %add3A_4 = arith.addi %mul3A_2, %add3A_3 : i32
    "tpu.region"() ({
      %run_scoped3A = tpu.sem_alloc : memref<!tpu.dma_semaphore, #tpu.memory_space<semaphore_mem>>
      %dma_start3A_43 = tpu.memref_slice %arg4[%add3A_4] : memref<12544xi32, #tpu.memory_space<hbm>> -> memref<192xi32, #tpu.memory_space<hbm>>
      %dma_start3A_44 = tpu.memref_slice %arg4[%add3A_4] : memref<12544xi32, #tpu.memory_space<hbm>> -> memref<192xi32, #tpu.memory_space<hbm>>
      tpu.enqueue_dma source(%dma_start3A_44 : memref<192xi32, #tpu.memory_space<hbm>>) target(%arg8 : memref<192xi32, #tpu.memory_space<vmem>>) target_semaphore(%run_scoped3A : memref<!tpu.dma_semaphore, #tpu.memory_space<semaphore_mem>>)
      %dma_wait3A_45 = tpu.memref_slice %arg4[%add3A_4] : memref<12544xi32, #tpu.memory_space<hbm>> -> memref<192xi32, #tpu.memory_space<hbm>>
      %dma_wait3A_46 = tpu.memref_slice %arg4[%add3A_4] : memref<12544xi32, #tpu.memory_space<hbm>> -> memref<192xi32, #tpu.memory_space<hbm>>
      tpu.wait_dma2 semaphore(%run_scoped3A : memref<!tpu.dma_semaphore, #tpu.memory_space<semaphore_mem>>) src(%dma_wait3A_46 : memref<192xi32, #tpu.memory_space<hbm>>) dst(%arg8 : memref<192xi32, #tpu.memory_space<vmem>>)
      tpu.yield
    }) : () -> ()
    %dma_start3A = arith.constant 0 : i32
    %dma_start3A_5 = arith.constant 0 : i32
    %dma_start3A_6 = tpu.memref_slice %arg2[%dma_start3A, %dma_start3A_5] : memref<50000x256xf32, #tpu.memory_space<hbm>> -> memref<50000x256xf32, #tpu.memory_space<hbm>>
    tpu.enqueue_indirect_dma source(%dma_start3A_6 : memref<50000x256xf32, #tpu.memory_space<hbm>>) target(%arg9 : memref<200x256xf32, #tpu.memory_space<vmem>>) offsets(%arg7 : memref<200xi32, #tpu.memory_space<vmem>>) semaphore(%arg11 : memref<!tpu.dma_semaphore, #tpu.memory_space<semaphore_mem>>)
    %dma_start3A_7 = arith.constant 0 : i32
    %dma_start3A_8 = arith.constant 0 : i32
    %dma_start3A_9 = tpu.memref_slice %arg3[%dma_start3A_7, %dma_start3A_8] : memref<50000x128xf32, #tpu.memory_space<hbm>> -> memref<50000x128xf32, #tpu.memory_space<hbm>>
    tpu.enqueue_indirect_dma source(%dma_start3A_9 : memref<50000x128xf32, #tpu.memory_space<hbm>>) target(%arg10 : memref<200x128xf32, #tpu.memory_space<vmem>>) offsets(%arg7 : memref<200xi32, #tpu.memory_space<vmem>>) semaphore(%arg12 : memref<!tpu.dma_semaphore, #tpu.memory_space<semaphore_mem>>)
    %dma_wait3A = arith.constant 0 : i32
    %dma_wait3A_10 = arith.constant 0 : i32
    %dma_wait3A_11 = tpu.memref_slice %arg2[%dma_wait3A, %dma_wait3A_10] : memref<50000x256xf32, #tpu.memory_space<hbm>> -> memref<50000x256xf32, #tpu.memory_space<hbm>>
    tpu.wait_indirect_dma semaphore(%arg11 : memref<!tpu.dma_semaphore, #tpu.memory_space<semaphore_mem>>) src(%dma_wait3A_11 : memref<50000x256xf32, #tpu.memory_space<hbm>>) dst(%arg9 : memref<200x256xf32, #tpu.memory_space<vmem>>)
    %dma_wait3A_12 = arith.constant 0 : i32
    %dma_wait3A_13 = arith.constant 0 : i32
    %dma_wait3A_14 = tpu.memref_slice %arg3[%dma_wait3A_12, %dma_wait3A_13] : memref<50000x128xf32, #tpu.memory_space<hbm>> -> memref<50000x128xf32, #tpu.memory_space<hbm>>
    tpu.wait_indirect_dma semaphore(%arg12 : memref<!tpu.dma_semaphore, #tpu.memory_space<semaphore_mem>>) src(%dma_wait3A_14 : memref<50000x128xf32, #tpu.memory_space<hbm>>) dst(%arg10 : memref<200x128xf32, #tpu.memory_space<vmem>>)
    "tpu.region"() ({
      %run_scoped3A = tpu.sem_alloc : memref<!tpu.dma_semaphore, #tpu.memory_space<semaphore_mem>>
      %dma_start3A_43 = arith.constant 0 : i32
      %dma_start3A_44 = tpu.memref_slice %arg5[%mul3A_2, %dma_start3A_43] : memref<12544x256xf32, #tpu.memory_space<hbm>> -> memref<200x256xf32, #tpu.memory_space<hbm>>
      %dma_start3A_45 = arith.constant 0 : i32
      %dma_start3A_46 = tpu.memref_slice %arg5[%mul3A_2, %dma_start3A_45] : memref<12544x256xf32, #tpu.memory_space<hbm>> -> memref<200x256xf32, #tpu.memory_space<hbm>>
      tpu.enqueue_dma source(%arg9 : memref<200x256xf32, #tpu.memory_space<vmem>>) target(%dma_start3A_46 : memref<200x256xf32, #tpu.memory_space<hbm>>) target_semaphore(%run_scoped3A : memref<!tpu.dma_semaphore, #tpu.memory_space<semaphore_mem>>)
      %dma_wait3A_47 = arith.constant 0 : i32
      %dma_wait3A_48 = tpu.memref_slice %arg5[%mul3A_2, %dma_wait3A_47] : memref<12544x256xf32, #tpu.memory_space<hbm>> -> memref<200x256xf32, #tpu.memory_space<hbm>>
      %dma_wait3A_49 = arith.constant 0 : i32
      %dma_wait3A_50 = tpu.memref_slice %arg5[%mul3A_2, %dma_wait3A_49] : memref<12544x256xf32, #tpu.memory_space<hbm>> -> memref<200x256xf32, #tpu.memory_space<hbm>>
      tpu.wait_dma2 semaphore(%run_scoped3A : memref<!tpu.dma_semaphore, #tpu.memory_space<semaphore_mem>>) src(%arg9 : memref<200x256xf32, #tpu.memory_space<vmem>>) dst(%dma_wait3A_50 : memref<200x256xf32, #tpu.memory_space<hbm>>)
      tpu.yield
    }) : () -> ()
    "tpu.region"() ({
      %run_scoped3A = tpu.sem_alloc : memref<!tpu.dma_semaphore, #tpu.memory_space<semaphore_mem>>
      %dma_start3A_43 = arith.constant 0 : i32
      %dma_start3A_44 = tpu.memref_slice %arg6[%mul3A_2, %dma_start3A_43] : memref<12544x128xf32, #tpu.memory_space<hbm>> -> memref<200x128xf32, #tpu.memory_space<hbm>>
      %dma_start3A_45 = arith.constant 0 : i32
      %dma_start3A_46 = tpu.memref_slice %arg6[%mul3A_2, %dma_start3A_45] : memref<12544x128xf32, #tpu.memory_space<hbm>> -> memref<200x128xf32, #tpu.memory_space<hbm>>
      tpu.enqueue_dma source(%arg10 : memref<200x128xf32, #tpu.memory_space<vmem>>) target(%dma_start3A_46 : memref<200x128xf32, #tpu.memory_space<hbm>>) target_semaphore(%run_scoped3A : memref<!tpu.dma_semaphore, #tpu.memory_space<semaphore_mem>>)
      %dma_wait3A_47 = arith.constant 0 : i32
      %dma_wait3A_48 = tpu.memref_slice %arg6[%mul3A_2, %dma_wait3A_47] : memref<12544x128xf32, #tpu.memory_space<hbm>> -> memref<200x128xf32, #tpu.memory_space<hbm>>
      %dma_wait3A_49 = arith.constant 0 : i32
      %dma_wait3A_50 = tpu.memref_slice %arg6[%mul3A_2, %dma_wait3A_49] : memref<12544x128xf32, #tpu.memory_space<hbm>> -> memref<200x128xf32, #tpu.memory_space<hbm>>
      tpu.wait_dma2 semaphore(%run_scoped3A : memref<!tpu.dma_semaphore, #tpu.memory_space<semaphore_mem>>) src(%arg10 : memref<200x128xf32, #tpu.memory_space<vmem>>) dst(%dma_wait3A_50 : memref<200x128xf32, #tpu.memory_space<hbm>>)
      tpu.yield
    }) : () -> ()
    %dma_start3A_15 = arith.constant 0 : i32
    %dma_start3A_16 = arith.constant 0 : i32
    %dma_start3A_17 = tpu.memref_slice %arg9[%dma_start3A_15, %dma_start3A_16] : memref<200x256xf32, #tpu.memory_space<vmem>> -> memref<192x256xf32, #tpu.memory_space<vmem>>
    %dma_start3A_18 = arith.constant 0 : i32
    %dma_start3A_19 = arith.constant 0 : i32
    %dma_start3A_20 = tpu.memref_slice %arg2[%dma_start3A_18, %dma_start3A_19] : memref<50000x256xf32, #tpu.memory_space<hbm>> -> memref<50000x256xf32, #tpu.memory_space<hbm>>
    tpu.enqueue_indirect_dma source(%dma_start3A_20 : memref<50000x256xf32, #tpu.memory_space<hbm>>) target(%dma_start3A_17 : memref<192x256xf32, #tpu.memory_space<vmem>>) offsets(%arg8 : memref<192xi32, #tpu.memory_space<vmem>>) semaphore(%arg11 : memref<!tpu.dma_semaphore, #tpu.memory_space<semaphore_mem>>)
    %dma_start3A_21 = arith.constant 0 : i32
    %dma_start3A_22 = arith.constant 0 : i32
    %dma_start3A_23 = tpu.memref_slice %arg10[%dma_start3A_21, %dma_start3A_22] : memref<200x128xf32, #tpu.memory_space<vmem>> -> memref<192x128xf32, #tpu.memory_space<vmem>>
    %dma_start3A_24 = arith.constant 0 : i32
    %dma_start3A_25 = arith.constant 0 : i32
    %dma_start3A_26 = tpu.memref_slice %arg3[%dma_start3A_24, %dma_start3A_25] : memref<50000x128xf32, #tpu.memory_space<hbm>> -> memref<50000x128xf32, #tpu.memory_space<hbm>>
    tpu.enqueue_indirect_dma source(%dma_start3A_26 : memref<50000x128xf32, #tpu.memory_space<hbm>>) target(%dma_start3A_23 : memref<192x128xf32, #tpu.memory_space<vmem>>) offsets(%arg8 : memref<192xi32, #tpu.memory_space<vmem>>) semaphore(%arg12 : memref<!tpu.dma_semaphore, #tpu.memory_space<semaphore_mem>>)
    %dma_wait3A_27 = arith.constant 0 : i32
    %dma_wait3A_28 = arith.constant 0 : i32
    %dma_wait3A_29 = tpu.memref_slice %arg9[%dma_wait3A_27, %dma_wait3A_28] : memref<200x256xf32, #tpu.memory_space<vmem>> -> memref<192x256xf32, #tpu.memory_space<vmem>>
    %dma_wait3A_30 = arith.constant 0 : i32
    %dma_wait3A_31 = arith.constant 0 : i32
    %dma_wait3A_32 = tpu.memref_slice %arg2[%dma_wait3A_30, %dma_wait3A_31] : memref<50000x256xf32, #tpu.memory_space<hbm>> -> memref<50000x256xf32, #tpu.memory_space<hbm>>
    tpu.wait_indirect_dma semaphore(%arg11 : memref<!tpu.dma_semaphore, #tpu.memory_space<semaphore_mem>>) src(%dma_wait3A_32 : memref<50000x256xf32, #tpu.memory_space<hbm>>) dst(%dma_wait3A_29 : memref<192x256xf32, #tpu.memory_space<vmem>>)
    %dma_wait3A_33 = arith.constant 0 : i32
    %dma_wait3A_34 = arith.constant 0 : i32
    %dma_wait3A_35 = tpu.memref_slice %arg10[%dma_wait3A_33, %dma_wait3A_34] : memref<200x128xf32, #tpu.memory_space<vmem>> -> memref<192x128xf32, #tpu.memory_space<vmem>>
    %dma_wait3A_36 = arith.constant 0 : i32
    %dma_wait3A_37 = arith.constant 0 : i32
    %dma_wait3A_38 = tpu.memref_slice %arg3[%dma_wait3A_36, %dma_wait3A_37] : memref<50000x128xf32, #tpu.memory_space<hbm>> -> memref<50000x128xf32, #tpu.memory_space<hbm>>
    tpu.wait_indirect_dma semaphore(%arg12 : memref<!tpu.dma_semaphore, #tpu.memory_space<semaphore_mem>>) src(%dma_wait3A_38 : memref<50000x128xf32, #tpu.memory_space<hbm>>) dst(%dma_wait3A_35 : memref<192x128xf32, #tpu.memory_space<vmem>>)
    %add3A_39 = arith.constant 200 : i32
    %add3A_40 = arith.addi %mul3A_2, %add3A_39 : i32
    "tpu.region"() ({
      %run_scoped3A = tpu.sem_alloc : memref<!tpu.dma_semaphore, #tpu.memory_space<semaphore_mem>>
      %dma_start3A_43 = arith.constant 0 : i32
      %dma_start3A_44 = arith.constant 0 : i32
      %dma_start3A_45 = tpu.memref_slice %arg9[%dma_start3A_43, %dma_start3A_44] : memref<200x256xf32, #tpu.memory_space<vmem>> -> memref<192x256xf32, #tpu.memory_space<vmem>>
      %dma_start3A_46 = arith.constant 0 : i32
      %dma_start3A_47 = tpu.memref_slice %arg5[%add3A_40, %dma_start3A_46] : memref<12544x256xf32, #tpu.memory_space<hbm>> -> memref<192x256xf32, #tpu.memory_space<hbm>>
      %dma_start3A_48 = arith.constant 0 : i32
      %dma_start3A_49 = tpu.memref_slice %arg5[%add3A_40, %dma_start3A_48] : memref<12544x256xf32, #tpu.memory_space<hbm>> -> memref<192x256xf32, #tpu.memory_space<hbm>>
      %dma_start3A_50 = arith.constant 0 : i32
      %dma_start3A_51 = arith.constant 0 : i32
      %dma_start3A_52 = tpu.memref_slice %arg9[%dma_start3A_50, %dma_start3A_51] : memref<200x256xf32, #tpu.memory_space<vmem>> -> memref<192x256xf32, #tpu.memory_space<vmem>>
      tpu.enqueue_dma source(%dma_start3A_52 : memref<192x256xf32, #tpu.memory_space<vmem>>) target(%dma_start3A_49 : memref<192x256xf32, #tpu.memory_space<hbm>>) target_semaphore(%run_scoped3A : memref<!tpu.dma_semaphore, #tpu.memory_space<semaphore_mem>>)
      %dma_wait3A_53 = arith.constant 0 : i32
      %dma_wait3A_54 = arith.constant 0 : i32
      %dma_wait3A_55 = tpu.memref_slice %arg9[%dma_wait3A_53, %dma_wait3A_54] : memref<200x256xf32, #tpu.memory_space<vmem>> -> memref<192x256xf32, #tpu.memory_space<vmem>>
      %dma_wait3A_56 = arith.constant 0 : i32
      %dma_wait3A_57 = tpu.memref_slice %arg5[%add3A_40, %dma_wait3A_56] : memref<12544x256xf32, #tpu.memory_space<hbm>> -> memref<192x256xf32, #tpu.memory_space<hbm>>
      %dma_wait3A_58 = arith.constant 0 : i32
      %dma_wait3A_59 = tpu.memref_slice %arg5[%add3A_40, %dma_wait3A_58] : memref<12544x256xf32, #tpu.memory_space<hbm>> -> memref<192x256xf32, #tpu.memory_space<hbm>>
      %dma_wait3A_60 = arith.constant 0 : i32
      %dma_wait3A_61 = arith.constant 0 : i32
      %dma_wait3A_62 = tpu.memref_slice %arg9[%dma_wait3A_60, %dma_wait3A_61] : memref<200x256xf32, #tpu.memory_space<vmem>> -> memref<192x256xf32, #tpu.memory_space<vmem>>
      tpu.wait_dma2 semaphore(%run_scoped3A : memref<!tpu.dma_semaphore, #tpu.memory_space<semaphore_mem>>) src(%dma_wait3A_62 : memref<192x256xf32, #tpu.memory_space<vmem>>) dst(%dma_wait3A_59 : memref<192x256xf32, #tpu.memory_space<hbm>>)
      tpu.yield
    }) : () -> ()
    %add3A_41 = arith.constant 200 : i32
    %add3A_42 = arith.addi %mul3A_2, %add3A_41 : i32
    "tpu.region"() ({
      %run_scoped3A = tpu.sem_alloc : memref<!tpu.dma_semaphore, #tpu.memory_space<semaphore_mem>>
      %dma_start3A_43 = arith.constant 0 : i32
      %dma_start3A_44 = arith.constant 0 : i32
      %dma_start3A_45 = tpu.memref_slice %arg10[%dma_start3A_43, %dma_start3A_44] : memref<200x128xf32, #tpu.memory_space<vmem>> -> memref<192x128xf32, #tpu.memory_space<vmem>>
      %dma_start3A_46 = arith.constant 0 : i32
      %dma_start3A_47 = tpu.memref_slice %arg6[%add3A_42, %dma_start3A_46] : memref<12544x128xf32, #tpu.memory_space<hbm>> -> memref<192x128xf32, #tpu.memory_space<hbm>>
      %dma_start3A_48 = arith.constant 0 : i32
      %dma_start3A_49 = tpu.memref_slice %arg6[%add3A_42, %dma_start3A_48] : memref<12544x128xf32, #tpu.memory_space<hbm>> -> memref<192x128xf32, #tpu.memory_space<hbm>>
      %dma_start3A_50 = arith.constant 0 : i32
      %dma_start3A_51 = arith.constant 0 : i32
      %dma_start3A_52 = tpu.memref_slice %arg10[%dma_start3A_50, %dma_start3A_51] : memref<200x128xf32, #tpu.memory_space<vmem>> -> memref<192x128xf32, #tpu.memory_space<vmem>>
      tpu.enqueue_dma source(%dma_start3A_52 : memref<192x128xf32, #tpu.memory_space<vmem>>) target(%dma_start3A_49 : memref<192x128xf32, #tpu.memory_space<hbm>>) target_semaphore(%run_scoped3A : memref<!tpu.dma_semaphore, #tpu.memory_space<semaphore_mem>>)
      %dma_wait3A_53 = arith.constant 0 : i32
      %dma_wait3A_54 = arith.constant 0 : i32
      %dma_wait3A_55 = tpu.memref_slice %arg10[%dma_wait3A_53, %dma_wait3A_54] : memref<200x128xf32, #tpu.memory_space<vmem>> -> memref<192x128xf32, #tpu.memory_space<vmem>>
      %dma_wait3A_56 = arith.constant 0 : i32
      %dma_wait3A_57 = tpu.memref_slice %arg6[%add3A_42, %dma_wait3A_56] : memref<12544x128xf32, #tpu.memory_space<hbm>> -> memref<192x128xf32, #tpu.memory_space<hbm>>
      %dma_wait3A_58 = arith.constant 0 : i32
      %dma_wait3A_59 = tpu.memref_slice %arg6[%add3A_42, %dma_wait3A_58] : memref<12544x128xf32, #tpu.memory_space<hbm>> -> memref<192x128xf32, #tpu.memory_space<hbm>>
      %dma_wait3A_60 = arith.constant 0 : i32
      %dma_wait3A_61 = arith.constant 0 : i32
      %dma_wait3A_62 = tpu.memref_slice %arg10[%dma_wait3A_60, %dma_wait3A_61] : memref<200x128xf32, #tpu.memory_space<vmem>> -> memref<192x128xf32, #tpu.memory_space<vmem>>
      tpu.wait_dma2 semaphore(%run_scoped3A : memref<!tpu.dma_semaphore, #tpu.memory_space<semaphore_mem>>) src(%dma_wait3A_62 : memref<192x128xf32, #tpu.memory_space<vmem>>) dst(%dma_wait3A_59 : memref<192x128xf32, #tpu.memory_space<hbm>>)
      tpu.yield
    }) : () -> ()
    return
  }
}

#map = affine_map<(d0, d1) -> (0, 0)>
#map1 = affine_map<(d0, d1) -> (0)>
module attributes {stable_mosaic.version = 14 : i64} {
  func.func @sc_gather_nbr(%arg0: i32, %arg1: i32, %arg2: memref<12544x128xf32, #tpu.memory_space<hbm>>, %arg3: memref<75264xi32, #tpu.memory_space<hbm>>, %arg4: memref<75264x128xf32, #tpu.memory_space<hbm>>, %arg5: memref<784xi32, #tpu.memory_space<vmem>>, %arg6: memref<784xi32, #tpu.memory_space<vmem>>, %arg7: memref<784xi32, #tpu.memory_space<vmem>>, %arg8: memref<784x128xf32, #tpu.memory_space<vmem>>, %arg9: memref<!tpu.dma_semaphore, #tpu.memory_space<semaphore_mem>>) attributes {dimension_semantics = [#tpu.dimension_semantics<core_parallel>, #tpu.dimension_semantics<subcore_parallel>], iteration_bounds = array<i64: 2, 16>, scalar_prefetch = 0 : i64, scratch_operands = 5 : i64, tpu.core_type = #tpu.core_type<sc_vector_subcore>, window_params = [{transform_indices = #map}, {transform_indices = #map1}, {transform_indices = #map}]} {
    %mul3A = arith.constant 2 : i32
    %mul3A_0 = arith.muli %arg1, %mul3A : i32
    %add3A = arith.addi %mul3A_0, %arg0 : i32
    %mul3A_1 = arith.constant 2352 : i32
    %mul3A_2 = arith.muli %add3A, %mul3A_1 : i32
    "tpu.region"() ({
      %run_scoped3A = tpu.sem_alloc : memref<!tpu.dma_semaphore, #tpu.memory_space<semaphore_mem>>
      %dma_start3A_29 = tpu.memref_slice %arg3[%mul3A_2] : memref<75264xi32, #tpu.memory_space<hbm>> -> memref<784xi32, #tpu.memory_space<hbm>>
      %dma_start3A_30 = tpu.memref_slice %arg3[%mul3A_2] : memref<75264xi32, #tpu.memory_space<hbm>> -> memref<784xi32, #tpu.memory_space<hbm>>
      tpu.enqueue_dma source(%dma_start3A_30 : memref<784xi32, #tpu.memory_space<hbm>>) target(%arg5 : memref<784xi32, #tpu.memory_space<vmem>>) target_semaphore(%run_scoped3A : memref<!tpu.dma_semaphore, #tpu.memory_space<semaphore_mem>>)
      %dma_wait3A_31 = tpu.memref_slice %arg3[%mul3A_2] : memref<75264xi32, #tpu.memory_space<hbm>> -> memref<784xi32, #tpu.memory_space<hbm>>
      %dma_wait3A_32 = tpu.memref_slice %arg3[%mul3A_2] : memref<75264xi32, #tpu.memory_space<hbm>> -> memref<784xi32, #tpu.memory_space<hbm>>
      tpu.wait_dma2 semaphore(%run_scoped3A : memref<!tpu.dma_semaphore, #tpu.memory_space<semaphore_mem>>) src(%dma_wait3A_32 : memref<784xi32, #tpu.memory_space<hbm>>) dst(%arg5 : memref<784xi32, #tpu.memory_space<vmem>>)
      tpu.yield
    }) : () -> ()
    %add3A_3 = arith.constant 784 : i32
    %add3A_4 = arith.addi %mul3A_2, %add3A_3 : i32
    "tpu.region"() ({
      %run_scoped3A = tpu.sem_alloc : memref<!tpu.dma_semaphore, #tpu.memory_space<semaphore_mem>>
      %dma_start3A_29 = tpu.memref_slice %arg3[%add3A_4] : memref<75264xi32, #tpu.memory_space<hbm>> -> memref<784xi32, #tpu.memory_space<hbm>>
      %dma_start3A_30 = tpu.memref_slice %arg3[%add3A_4] : memref<75264xi32, #tpu.memory_space<hbm>> -> memref<784xi32, #tpu.memory_space<hbm>>
      tpu.enqueue_dma source(%dma_start3A_30 : memref<784xi32, #tpu.memory_space<hbm>>) target(%arg6 : memref<784xi32, #tpu.memory_space<vmem>>) target_semaphore(%run_scoped3A : memref<!tpu.dma_semaphore, #tpu.memory_space<semaphore_mem>>)
      %dma_wait3A_31 = tpu.memref_slice %arg3[%add3A_4] : memref<75264xi32, #tpu.memory_space<hbm>> -> memref<784xi32, #tpu.memory_space<hbm>>
      %dma_wait3A_32 = tpu.memref_slice %arg3[%add3A_4] : memref<75264xi32, #tpu.memory_space<hbm>> -> memref<784xi32, #tpu.memory_space<hbm>>
      tpu.wait_dma2 semaphore(%run_scoped3A : memref<!tpu.dma_semaphore, #tpu.memory_space<semaphore_mem>>) src(%dma_wait3A_32 : memref<784xi32, #tpu.memory_space<hbm>>) dst(%arg6 : memref<784xi32, #tpu.memory_space<vmem>>)
      tpu.yield
    }) : () -> ()
    %add3A_5 = arith.constant 1568 : i32
    %add3A_6 = arith.addi %mul3A_2, %add3A_5 : i32
    "tpu.region"() ({
      %run_scoped3A = tpu.sem_alloc : memref<!tpu.dma_semaphore, #tpu.memory_space<semaphore_mem>>
      %dma_start3A_29 = tpu.memref_slice %arg3[%add3A_6] : memref<75264xi32, #tpu.memory_space<hbm>> -> memref<784xi32, #tpu.memory_space<hbm>>
      %dma_start3A_30 = tpu.memref_slice %arg3[%add3A_6] : memref<75264xi32, #tpu.memory_space<hbm>> -> memref<784xi32, #tpu.memory_space<hbm>>
      tpu.enqueue_dma source(%dma_start3A_30 : memref<784xi32, #tpu.memory_space<hbm>>) target(%arg7 : memref<784xi32, #tpu.memory_space<vmem>>) target_semaphore(%run_scoped3A : memref<!tpu.dma_semaphore, #tpu.memory_space<semaphore_mem>>)
      %dma_wait3A_31 = tpu.memref_slice %arg3[%add3A_6] : memref<75264xi32, #tpu.memory_space<hbm>> -> memref<784xi32, #tpu.memory_space<hbm>>
      %dma_wait3A_32 = tpu.memref_slice %arg3[%add3A_6] : memref<75264xi32, #tpu.memory_space<hbm>> -> memref<784xi32, #tpu.memory_space<hbm>>
      tpu.wait_dma2 semaphore(%run_scoped3A : memref<!tpu.dma_semaphore, #tpu.memory_space<semaphore_mem>>) src(%dma_wait3A_32 : memref<784xi32, #tpu.memory_space<hbm>>) dst(%arg7 : memref<784xi32, #tpu.memory_space<vmem>>)
      tpu.yield
    }) : () -> ()
    %dma_start3A = arith.constant 0 : i32
    %dma_start3A_7 = arith.constant 0 : i32
    %dma_start3A_8 = tpu.memref_slice %arg2[%dma_start3A, %dma_start3A_7] : memref<12544x128xf32, #tpu.memory_space<hbm>> -> memref<12544x128xf32, #tpu.memory_space<hbm>>
    tpu.enqueue_indirect_dma source(%dma_start3A_8 : memref<12544x128xf32, #tpu.memory_space<hbm>>) target(%arg8 : memref<784x128xf32, #tpu.memory_space<vmem>>) offsets(%arg5 : memref<784xi32, #tpu.memory_space<vmem>>) semaphore(%arg9 : memref<!tpu.dma_semaphore, #tpu.memory_space<semaphore_mem>>)
    %dma_wait3A = arith.constant 0 : i32
    %dma_wait3A_9 = arith.constant 0 : i32
    %dma_wait3A_10 = tpu.memref_slice %arg2[%dma_wait3A, %dma_wait3A_9] : memref<12544x128xf32, #tpu.memory_space<hbm>> -> memref<12544x128xf32, #tpu.memory_space<hbm>>
    tpu.wait_indirect_dma semaphore(%arg9 : memref<!tpu.dma_semaphore, #tpu.memory_space<semaphore_mem>>) src(%dma_wait3A_10 : memref<12544x128xf32, #tpu.memory_space<hbm>>) dst(%arg8 : memref<784x128xf32, #tpu.memory_space<vmem>>)
    %add3A_11 = arith.constant 0 : i32
    %add3A_12 = arith.addi %mul3A_2, %add3A_11 : i32
    "tpu.region"() ({
      %run_scoped3A = tpu.sem_alloc : memref<!tpu.dma_semaphore, #tpu.memory_space<semaphore_mem>>
      %dma_start3A_29 = arith.constant 0 : i32
      %dma_start3A_30 = tpu.memref_slice %arg4[%add3A_12, %dma_start3A_29] : memref<75264x128xf32, #tpu.memory_space<hbm>> -> memref<784x128xf32, #tpu.memory_space<hbm>>
      %dma_start3A_31 = arith.constant 0 : i32
      %dma_start3A_32 = tpu.memref_slice %arg4[%add3A_12, %dma_start3A_31] : memref<75264x128xf32, #tpu.memory_space<hbm>> -> memref<784x128xf32, #tpu.memory_space<hbm>>
      tpu.enqueue_dma source(%arg8 : memref<784x128xf32, #tpu.memory_space<vmem>>) target(%dma_start3A_32 : memref<784x128xf32, #tpu.memory_space<hbm>>) target_semaphore(%run_scoped3A : memref<!tpu.dma_semaphore, #tpu.memory_space<semaphore_mem>>)
      %dma_wait3A_33 = arith.constant 0 : i32
      %dma_wait3A_34 = tpu.memref_slice %arg4[%add3A_12, %dma_wait3A_33] : memref<75264x128xf32, #tpu.memory_space<hbm>> -> memref<784x128xf32, #tpu.memory_space<hbm>>
      %dma_wait3A_35 = arith.constant 0 : i32
      %dma_wait3A_36 = tpu.memref_slice %arg4[%add3A_12, %dma_wait3A_35] : memref<75264x128xf32, #tpu.memory_space<hbm>> -> memref<784x128xf32, #tpu.memory_space<hbm>>
      tpu.wait_dma2 semaphore(%run_scoped3A : memref<!tpu.dma_semaphore, #tpu.memory_space<semaphore_mem>>) src(%arg8 : memref<784x128xf32, #tpu.memory_space<vmem>>) dst(%dma_wait3A_36 : memref<784x128xf32, #tpu.memory_space<hbm>>)
      tpu.yield
    }) : () -> ()
    %dma_start3A_13 = arith.constant 0 : i32
    %dma_start3A_14 = arith.constant 0 : i32
    %dma_start3A_15 = tpu.memref_slice %arg2[%dma_start3A_13, %dma_start3A_14] : memref<12544x128xf32, #tpu.memory_space<hbm>> -> memref<12544x128xf32, #tpu.memory_space<hbm>>
    tpu.enqueue_indirect_dma source(%dma_start3A_15 : memref<12544x128xf32, #tpu.memory_space<hbm>>) target(%arg8 : memref<784x128xf32, #tpu.memory_space<vmem>>) offsets(%arg6 : memref<784xi32, #tpu.memory_space<vmem>>) semaphore(%arg9 : memref<!tpu.dma_semaphore, #tpu.memory_space<semaphore_mem>>)
    %dma_wait3A_16 = arith.constant 0 : i32
    %dma_wait3A_17 = arith.constant 0 : i32
    %dma_wait3A_18 = tpu.memref_slice %arg2[%dma_wait3A_16, %dma_wait3A_17] : memref<12544x128xf32, #tpu.memory_space<hbm>> -> memref<12544x128xf32, #tpu.memory_space<hbm>>
    tpu.wait_indirect_dma semaphore(%arg9 : memref<!tpu.dma_semaphore, #tpu.memory_space<semaphore_mem>>) src(%dma_wait3A_18 : memref<12544x128xf32, #tpu.memory_space<hbm>>) dst(%arg8 : memref<784x128xf32, #tpu.memory_space<vmem>>)
    %add3A_19 = arith.constant 784 : i32
    %add3A_20 = arith.addi %mul3A_2, %add3A_19 : i32
    "tpu.region"() ({
      %run_scoped3A = tpu.sem_alloc : memref<!tpu.dma_semaphore, #tpu.memory_space<semaphore_mem>>
      %dma_start3A_29 = arith.constant 0 : i32
      %dma_start3A_30 = tpu.memref_slice %arg4[%add3A_20, %dma_start3A_29] : memref<75264x128xf32, #tpu.memory_space<hbm>> -> memref<784x128xf32, #tpu.memory_space<hbm>>
      %dma_start3A_31 = arith.constant 0 : i32
      %dma_start3A_32 = tpu.memref_slice %arg4[%add3A_20, %dma_start3A_31] : memref<75264x128xf32, #tpu.memory_space<hbm>> -> memref<784x128xf32, #tpu.memory_space<hbm>>
      tpu.enqueue_dma source(%arg8 : memref<784x128xf32, #tpu.memory_space<vmem>>) target(%dma_start3A_32 : memref<784x128xf32, #tpu.memory_space<hbm>>) target_semaphore(%run_scoped3A : memref<!tpu.dma_semaphore, #tpu.memory_space<semaphore_mem>>)
      %dma_wait3A_33 = arith.constant 0 : i32
      %dma_wait3A_34 = tpu.memref_slice %arg4[%add3A_20, %dma_wait3A_33] : memref<75264x128xf32, #tpu.memory_space<hbm>> -> memref<784x128xf32, #tpu.memory_space<hbm>>
      %dma_wait3A_35 = arith.constant 0 : i32
      %dma_wait3A_36 = tpu.memref_slice %arg4[%add3A_20, %dma_wait3A_35] : memref<75264x128xf32, #tpu.memory_space<hbm>> -> memref<784x128xf32, #tpu.memory_space<hbm>>
      tpu.wait_dma2 semaphore(%run_scoped3A : memref<!tpu.dma_semaphore, #tpu.memory_space<semaphore_mem>>) src(%arg8 : memref<784x128xf32, #tpu.memory_space<vmem>>) dst(%dma_wait3A_36 : memref<784x128xf32, #tpu.memory_space<hbm>>)
      tpu.yield
    }) : () -> ()
    %dma_start3A_21 = arith.constant 0 : i32
    %dma_start3A_22 = arith.constant 0 : i32
    %dma_start3A_23 = tpu.memref_slice %arg2[%dma_start3A_21, %dma_start3A_22] : memref<12544x128xf32, #tpu.memory_space<hbm>> -> memref<12544x128xf32, #tpu.memory_space<hbm>>
    tpu.enqueue_indirect_dma source(%dma_start3A_23 : memref<12544x128xf32, #tpu.memory_space<hbm>>) target(%arg8 : memref<784x128xf32, #tpu.memory_space<vmem>>) offsets(%arg7 : memref<784xi32, #tpu.memory_space<vmem>>) semaphore(%arg9 : memref<!tpu.dma_semaphore, #tpu.memory_space<semaphore_mem>>)
    %dma_wait3A_24 = arith.constant 0 : i32
    %dma_wait3A_25 = arith.constant 0 : i32
    %dma_wait3A_26 = tpu.memref_slice %arg2[%dma_wait3A_24, %dma_wait3A_25] : memref<12544x128xf32, #tpu.memory_space<hbm>> -> memref<12544x128xf32, #tpu.memory_space<hbm>>
    tpu.wait_indirect_dma semaphore(%arg9 : memref<!tpu.dma_semaphore, #tpu.memory_space<semaphore_mem>>) src(%dma_wait3A_26 : memref<12544x128xf32, #tpu.memory_space<hbm>>) dst(%arg8 : memref<784x128xf32, #tpu.memory_space<vmem>>)
    %add3A_27 = arith.constant 1568 : i32
    %add3A_28 = arith.addi %mul3A_2, %add3A_27 : i32
    "tpu.region"() ({
      %run_scoped3A = tpu.sem_alloc : memref<!tpu.dma_semaphore, #tpu.memory_space<semaphore_mem>>
      %dma_start3A_29 = arith.constant 0 : i32
      %dma_start3A_30 = tpu.memref_slice %arg4[%add3A_28, %dma_start3A_29] : memref<75264x128xf32, #tpu.memory_space<hbm>> -> memref<784x128xf32, #tpu.memory_space<hbm>>
      %dma_start3A_31 = arith.constant 0 : i32
      %dma_start3A_32 = tpu.memref_slice %arg4[%add3A_28, %dma_start3A_31] : memref<75264x128xf32, #tpu.memory_space<hbm>> -> memref<784x128xf32, #tpu.memory_space<hbm>>
      tpu.enqueue_dma source(%arg8 : memref<784x128xf32, #tpu.memory_space<vmem>>) target(%dma_start3A_32 : memref<784x128xf32, #tpu.memory_space<hbm>>) target_semaphore(%run_scoped3A : memref<!tpu.dma_semaphore, #tpu.memory_space<semaphore_mem>>)
      %dma_wait3A_33 = arith.constant 0 : i32
      %dma_wait3A_34 = tpu.memref_slice %arg4[%add3A_28, %dma_wait3A_33] : memref<75264x128xf32, #tpu.memory_space<hbm>> -> memref<784x128xf32, #tpu.memory_space<hbm>>
      %dma_wait3A_35 = arith.constant 0 : i32
      %dma_wait3A_36 = tpu.memref_slice %arg4[%add3A_28, %dma_wait3A_35] : memref<75264x128xf32, #tpu.memory_space<hbm>> -> memref<784x128xf32, #tpu.memory_space<hbm>>
      tpu.wait_dma2 semaphore(%run_scoped3A : memref<!tpu.dma_semaphore, #tpu.memory_space<semaphore_mem>>) src(%arg8 : memref<784x128xf32, #tpu.memory_space<vmem>>) dst(%dma_wait3A_36 : memref<784x128xf32, #tpu.memory_space<hbm>>)
      tpu.yield
    }) : () -> ()
    return
  }
}

module attributes {stable_mosaic.version = 14 : i64} {
  func.func @_knn_body(%arg0: i32, %arg1: memref<256x3xf32, #tpu.memory_space<vmem>>, %arg2: memref<3x12544xf32, #tpu.memory_space<vmem>>, %arg3: memref<256x8xi32, #tpu.memory_space<vmem>>) attributes {dimension_semantics = [#tpu.dimension_semantics<arbitrary>], iteration_bounds = array<i64: 49>, scalar_prefetch = 0 : i64, scratch_operands = 0 : i64, tpu.core_type = #tpu.core_type<tc>, window_params = [{transform_indices = @transform_0, window_bounds = array<i64: 256, 3>}, {pipeline_mode = #tpu.pipeline_mode<synchronous>, transform_indices = @transform_1, window_bounds = array<i64: 3, 12544>}, {transform_indices = @transform_2, window_bounds = array<i64: 256, 8>}]} {
    %get3A = arith.constant 0 : index
    %get3A_0 = arith.constant 0 : index
    %get3A_1 = vector.load %arg2[%get3A, %get3A_0] : memref<3x12544xf32, #tpu.memory_space<vmem>>, vector<1x12544xf32>
    %get3A_2 = arith.constant 1 : index
    %get3A_3 = arith.constant 0 : index
    %get3A_4 = vector.load %arg2[%get3A_2, %get3A_3] : memref<3x12544xf32, #tpu.memory_space<vmem>>, vector<1x12544xf32>
    %get3A_5 = arith.constant 2 : index
    %get3A_6 = arith.constant 0 : index
    %get3A_7 = vector.load %arg2[%get3A_5, %get3A_6] : memref<3x12544xf32, #tpu.memory_space<vmem>>, vector<1x12544xf32>
    %mul3A = arith.mulf %get3A_1, %get3A_1 : vector<1x12544xf32>
    %mul3A_8 = arith.mulf %get3A_4, %get3A_4 : vector<1x12544xf32>
    %add3A = arith.addf %mul3A, %mul3A_8 : vector<1x12544xf32>
    %mul3A_9 = arith.mulf %get3A_7, %get3A_7 : vector<1x12544xf32>
    %add3A_10 = arith.addf %add3A, %mul3A_9 : vector<1x12544xf32>
    %get3A_11 = arith.constant 0 : index
    %get3A_12 = arith.constant 0 : index
    %get3A_13 = vector.load %arg1[%get3A_11, %get3A_12] : memref<256x3xf32, #tpu.memory_space<vmem>>, vector<256x1xf32>
    %get3A_14 = arith.constant 0 : index
    %get3A_15 = arith.constant 1 : index
    %get3A_16 = vector.load %arg1[%get3A_14, %get3A_15] : memref<256x3xf32, #tpu.memory_space<vmem>>, vector<256x1xf32>
    %get3A_17 = arith.constant 0 : index
    %get3A_18 = arith.constant 2 : index
    %get3A_19 = vector.load %arg1[%get3A_17, %get3A_18] : memref<256x3xf32, #tpu.memory_space<vmem>>, vector<256x1xf32>
    %mul3A_20 = arith.mulf %get3A_13, %get3A_13 : vector<256x1xf32>
    %mul3A_21 = arith.mulf %get3A_16, %get3A_16 : vector<256x1xf32>
    %add3A_22 = arith.addf %mul3A_20, %mul3A_21 : vector<256x1xf32>
    %mul3A_23 = arith.mulf %get3A_19, %get3A_19 : vector<256x1xf32>
    %add3A_24 = arith.addf %add3A_22, %mul3A_23 : vector<256x1xf32>
    %convert_element_type3A = arith.truncf %get3A_13 : vector<256x1xf32> to vector<256x1xbf16>
    %convert_element_type3A_25 = arith.extf %convert_element_type3A : vector<256x1xbf16> to vector<256x1xf32>
    %convert_element_type3A_26 = arith.truncf %get3A_1 : vector<1x12544xf32> to vector<1x12544xbf16>
    %convert_element_type3A_27 = arith.extf %convert_element_type3A_26 : vector<1x12544xbf16> to vector<1x12544xf32>
    %mul3A_28 = vector.broadcast %convert_element_type3A_25 : vector<256x1xf32> to vector<256x12544xf32>
    %mul3A_29 = vector.broadcast %convert_element_type3A_27 : vector<1x12544xf32> to vector<256x12544xf32>
    %mul3A_30 = arith.mulf %mul3A_28, %mul3A_29 : vector<256x12544xf32>
    %convert_element_type3A_31 = arith.truncf %get3A_16 : vector<256x1xf32> to vector<256x1xbf16>
    %convert_element_type3A_32 = arith.extf %convert_element_type3A_31 : vector<256x1xbf16> to vector<256x1xf32>
    %convert_element_type3A_33 = arith.truncf %get3A_4 : vector<1x12544xf32> to vector<1x12544xbf16>
    %convert_element_type3A_34 = arith.extf %convert_element_type3A_33 : vector<1x12544xbf16> to vector<1x12544xf32>
    %mul3A_35 = vector.broadcast %convert_element_type3A_32 : vector<256x1xf32> to vector<256x12544xf32>
    %mul3A_36 = vector.broadcast %convert_element_type3A_34 : vector<1x12544xf32> to vector<256x12544xf32>
    %mul3A_37 = arith.mulf %mul3A_35, %mul3A_36 : vector<256x12544xf32>
    %add3A_38 = arith.addf %mul3A_30, %mul3A_37 : vector<256x12544xf32>
    %convert_element_type3A_39 = arith.truncf %get3A_19 : vector<256x1xf32> to vector<256x1xbf16>
    %convert_element_type3A_40 = arith.extf %convert_element_type3A_39 : vector<256x1xbf16> to vector<256x1xf32>
    %convert_element_type3A_41 = arith.truncf %get3A_7 : vector<1x12544xf32> to vector<1x12544xbf16>
    %convert_element_type3A_42 = arith.extf %convert_element_type3A_41 : vector<1x12544xbf16> to vector<1x12544xf32>
    %mul3A_43 = vector.broadcast %convert_element_type3A_40 : vector<256x1xf32> to vector<256x12544xf32>
    %mul3A_44 = vector.broadcast %convert_element_type3A_42 : vector<1x12544xf32> to vector<256x12544xf32>
    %mul3A_45 = arith.mulf %mul3A_43, %mul3A_44 : vector<256x12544xf32>
    %add3A_46 = arith.addf %add3A_38, %mul3A_45 : vector<256x12544xf32>
    %add3A_47 = vector.broadcast %add3A_24 : vector<256x1xf32> to vector<256x12544xf32>
    %add3A_48 = vector.broadcast %add3A_10 : vector<1x12544xf32> to vector<256x12544xf32>
    %add3A_49 = arith.addf %add3A_47, %add3A_48 : vector<256x12544xf32>
    %mul3A_50 = arith.constant 2.000000e+00 : f32
    %mul3A_51 = vector.broadcast %mul3A_50 : f32 to vector<256x12544xf32>
    %mul3A_52 = arith.mulf %mul3A_51, %add3A_46 : vector<256x12544xf32>
    %sub3A = arith.subf %add3A_49, %mul3A_52 : vector<256x12544xf32>
    %iota3A = tpu.iota {dimensions = array<i32: 1>} : vector<256x12544xi32>
    %mul3A_53 = arith.constant 256 : i32
    %mul3A_54 = arith.muli %arg0, %mul3A_53 : i32
    %iota3A_55 = tpu.iota {dimensions = array<i32: 0>} : vector<256x12544xi32>
    %add3A_56 = vector.broadcast %mul3A_54 : i32 to vector<256x12544xi32>
    %add3A_57 = arith.addi %add3A_56, %iota3A_55 : vector<256x12544xi32>
    %eq3A = arith.cmpi eq, %iota3A, %add3A_57 : vector<256x12544xi32>
    %jit3A = arith.constant 0x7F800000 : f32
    %broadcast_in_dim3A = vector.broadcast %jit3A : f32 to vector<256x12544xf32>
    %select_n3A = arith.select %eq3A, %broadcast_in_dim3A, %sub3A : vector<256x12544xi1>, vector<256x12544xf32>
    %ge3A = arith.constant 12500 : i32
    %ge3A_58 = vector.broadcast %ge3A : i32 to vector<256x12544xi32>
    %ge3A_59 = arith.cmpi sge, %iota3A, %ge3A_58 : vector<256x12544xi32>
    %jit3A_60 = arith.constant 0x7F800000 : f32
    %broadcast_in_dim3A_61 = vector.broadcast %jit3A_60 : f32 to vector<256x12544xf32>
    %select_n3A_62 = arith.select %ge3A_59, %broadcast_in_dim3A_61, %select_n3A : vector<256x12544xi1>, vector<256x12544xf32>
    %reduce_min3A = arith.constant dense<0x7F800000> : vector<256xf32>
    %reduce_min3A_63 = vector.multi_reduction <minimumf>, %select_n3A_62, %reduce_min3A [1] : vector<256x12544xf32> to vector<256xf32>
    %broadcast_in_dim3A_64 = vector.shape_cast %reduce_min3A_63 : vector<256xf32> to vector<256x1xf32>
    %eq3A_65 = vector.broadcast %broadcast_in_dim3A_64 : vector<256x1xf32> to vector<256x12544xf32>
    %eq3A_66 = arith.cmpf oeq, %select_n3A_62, %eq3A_65 : vector<256x12544xf32>
    %jit3A_67 = arith.constant 1073741824 : i32
    %broadcast_in_dim3A_68 = vector.broadcast %jit3A_67 : i32 to vector<256x12544xi32>
    %select_n3A_69 = arith.select %eq3A_66, %iota3A, %broadcast_in_dim3A_68 : vector<256x12544xi1>, vector<256x12544xi32>
    %reduce_min3A_70 = arith.constant dense<2147483647> : vector<256xi32>
    %reduce_min3A_71 = vector.multi_reduction <minsi>, %select_n3A_69, %reduce_min3A_70 [1] : vector<256x12544xi32> to vector<256xi32>
    %broadcast_in_dim3A_72 = vector.shape_cast %reduce_min3A_71 : vector<256xi32> to vector<256x1xi32>
    %eq3A_73 = vector.broadcast %broadcast_in_dim3A_72 : vector<256x1xi32> to vector<256x12544xi32>
    %eq3A_74 = arith.cmpi eq, %iota3A, %eq3A_73 : vector<256x12544xi32>
    %jit3A_75 = arith.constant 0x7F800000 : f32
    %broadcast_in_dim3A_76 = vector.broadcast %jit3A_75 : f32 to vector<256x12544xf32>
    %select_n3A_77 = arith.select %eq3A_74, %broadcast_in_dim3A_76, %select_n3A_62 : vector<256x12544xi1>, vector<256x12544xf32>
    %reduce_min3A_78 = arith.constant dense<0x7F800000> : vector<256xf32>
    %reduce_min3A_79 = vector.multi_reduction <minimumf>, %select_n3A_77, %reduce_min3A_78 [1] : vector<256x12544xf32> to vector<256xf32>
    %broadcast_in_dim3A_80 = vector.shape_cast %reduce_min3A_79 : vector<256xf32> to vector<256x1xf32>
    %eq3A_81 = vector.broadcast %broadcast_in_dim3A_80 : vector<256x1xf32> to vector<256x12544xf32>
    %eq3A_82 = arith.cmpf oeq, %select_n3A_77, %eq3A_81 : vector<256x12544xf32>
    %jit3A_83 = arith.constant 1073741824 : i32
    %broadcast_in_dim3A_84 = vector.broadcast %jit3A_83 : i32 to vector<256x12544xi32>
    %select_n3A_85 = arith.select %eq3A_82, %iota3A, %broadcast_in_dim3A_84 : vector<256x12544xi1>, vector<256x12544xi32>
    %reduce_min3A_86 = arith.constant dense<2147483647> : vector<256xi32>
    %reduce_min3A_87 = vector.multi_reduction <minsi>, %select_n3A_85, %reduce_min3A_86 [1] : vector<256x12544xi32> to vector<256xi32>
    %broadcast_in_dim3A_88 = vector.shape_cast %reduce_min3A_87 : vector<256xi32> to vector<256x1xi32>
    %eq3A_89 = vector.broadcast %broadcast_in_dim3A_88 : vector<256x1xi32> to vector<256x12544xi32>
    %eq3A_90 = arith.cmpi eq, %iota3A, %eq3A_89 : vector<256x12544xi32>
    %jit3A_91 = arith.constant 0x7F800000 : f32
    %broadcast_in_dim3A_92 = vector.broadcast %jit3A_91 : f32 to vector<256x12544xf32>
    %select_n3A_93 = arith.select %eq3A_90, %broadcast_in_dim3A_92, %select_n3A_77 : vector<256x12544xi1>, vector<256x12544xf32>
    %reduce_min3A_94 = arith.constant dense<0x7F800000> : vector<256xf32>
    %reduce_min3A_95 = vector.multi_reduction <minimumf>, %select_n3A_93, %reduce_min3A_94 [1] : vector<256x12544xf32> to vector<256xf32>
    %broadcast_in_dim3A_96 = vector.shape_cast %reduce_min3A_95 : vector<256xf32> to vector<256x1xf32>
    %eq3A_97 = vector.broadcast %broadcast_in_dim3A_96 : vector<256x1xf32> to vector<256x12544xf32>
    %eq3A_98 = arith.cmpf oeq, %select_n3A_93, %eq3A_97 : vector<256x12544xf32>
    %jit3A_99 = arith.constant 1073741824 : i32
    %broadcast_in_dim3A_100 = vector.broadcast %jit3A_99 : i32 to vector<256x12544xi32>
    %select_n3A_101 = arith.select %eq3A_98, %iota3A, %broadcast_in_dim3A_100 : vector<256x12544xi1>, vector<256x12544xi32>
    %reduce_min3A_102 = arith.constant dense<2147483647> : vector<256xi32>
    %reduce_min3A_103 = vector.multi_reduction <minsi>, %select_n3A_101, %reduce_min3A_102 [1] : vector<256x12544xi32> to vector<256xi32>
    %broadcast_in_dim3A_104 = vector.shape_cast %reduce_min3A_103 : vector<256xi32> to vector<256x1xi32>
    %eq3A_105 = vector.broadcast %broadcast_in_dim3A_104 : vector<256x1xi32> to vector<256x12544xi32>
    %eq3A_106 = arith.cmpi eq, %iota3A, %eq3A_105 : vector<256x12544xi32>
    %jit3A_107 = arith.constant 0x7F800000 : f32
    %broadcast_in_dim3A_108 = vector.broadcast %jit3A_107 : f32 to vector<256x12544xf32>
    %select_n3A_109 = arith.select %eq3A_106, %broadcast_in_dim3A_108, %select_n3A_93 : vector<256x12544xi1>, vector<256x12544xf32>
    %reduce_min3A_110 = arith.constant dense<0x7F800000> : vector<256xf32>
    %reduce_min3A_111 = vector.multi_reduction <minimumf>, %select_n3A_109, %reduce_min3A_110 [1] : vector<256x12544xf32> to vector<256xf32>
    %broadcast_in_dim3A_112 = vector.shape_cast %reduce_min3A_111 : vector<256xf32> to vector<256x1xf32>
    %eq3A_113 = vector.broadcast %broadcast_in_dim3A_112 : vector<256x1xf32> to vector<256x12544xf32>
    %eq3A_114 = arith.cmpf oeq, %select_n3A_109, %eq3A_113 : vector<256x12544xf32>
    %jit3A_115 = arith.constant 1073741824 : i32
    %broadcast_in_dim3A_116 = vector.broadcast %jit3A_115 : i32 to vector<256x12544xi32>
    %select_n3A_117 = arith.select %eq3A_114, %iota3A, %broadcast_in_dim3A_116 : vector<256x12544xi1>, vector<256x12544xi32>
    %reduce_min3A_118 = arith.constant dense<2147483647> : vector<256xi32>
    %reduce_min3A_119 = vector.multi_reduction <minsi>, %select_n3A_117, %reduce_min3A_118 [1] : vector<256x12544xi32> to vector<256xi32>
    %broadcast_in_dim3A_120 = vector.shape_cast %reduce_min3A_119 : vector<256xi32> to vector<256x1xi32>
    %eq3A_121 = vector.broadcast %broadcast_in_dim3A_120 : vector<256x1xi32> to vector<256x12544xi32>
    %eq3A_122 = arith.cmpi eq, %iota3A, %eq3A_121 : vector<256x12544xi32>
    %jit3A_123 = arith.constant 0x7F800000 : f32
    %broadcast_in_dim3A_124 = vector.broadcast %jit3A_123 : f32 to vector<256x12544xf32>
    %select_n3A_125 = arith.select %eq3A_122, %broadcast_in_dim3A_124, %select_n3A_109 : vector<256x12544xi1>, vector<256x12544xf32>
    %reduce_min3A_126 = arith.constant dense<0x7F800000> : vector<256xf32>
    %reduce_min3A_127 = vector.multi_reduction <minimumf>, %select_n3A_125, %reduce_min3A_126 [1] : vector<256x12544xf32> to vector<256xf32>
    %broadcast_in_dim3A_128 = vector.shape_cast %reduce_min3A_127 : vector<256xf32> to vector<256x1xf32>
    %eq3A_129 = vector.broadcast %broadcast_in_dim3A_128 : vector<256x1xf32> to vector<256x12544xf32>
    %eq3A_130 = arith.cmpf oeq, %select_n3A_125, %eq3A_129 : vector<256x12544xf32>
    %jit3A_131 = arith.constant 1073741824 : i32
    %broadcast_in_dim3A_132 = vector.broadcast %jit3A_131 : i32 to vector<256x12544xi32>
    %select_n3A_133 = arith.select %eq3A_130, %iota3A, %broadcast_in_dim3A_132 : vector<256x12544xi1>, vector<256x12544xi32>
    %reduce_min3A_134 = arith.constant dense<2147483647> : vector<256xi32>
    %reduce_min3A_135 = vector.multi_reduction <minsi>, %select_n3A_133, %reduce_min3A_134 [1] : vector<256x12544xi32> to vector<256xi32>
    %broadcast_in_dim3A_136 = vector.shape_cast %reduce_min3A_135 : vector<256xi32> to vector<256x1xi32>
    %eq3A_137 = vector.broadcast %broadcast_in_dim3A_136 : vector<256x1xi32> to vector<256x12544xi32>
    %eq3A_138 = arith.cmpi eq, %iota3A, %eq3A_137 : vector<256x12544xi32>
    %jit3A_139 = arith.constant 0x7F800000 : f32
    %broadcast_in_dim3A_140 = vector.broadcast %jit3A_139 : f32 to vector<256x12544xf32>
    %select_n3A_141 = arith.select %eq3A_138, %broadcast_in_dim3A_140, %select_n3A_125 : vector<256x12544xi1>, vector<256x12544xf32>
    %reduce_min3A_142 = arith.constant dense<0x7F800000> : vector<256xf32>
    %reduce_min3A_143 = vector.multi_reduction <minimumf>, %select_n3A_141, %reduce_min3A_142 [1] : vector<256x12544xf32> to vector<256xf32>
    %broadcast_in_dim3A_144 = vector.shape_cast %reduce_min3A_143 : vector<256xf32> to vector<256x1xf32>
    %eq3A_145 = vector.broadcast %broadcast_in_dim3A_144 : vector<256x1xf32> to vector<256x12544xf32>
    %eq3A_146 = arith.cmpf oeq, %select_n3A_141, %eq3A_145 : vector<256x12544xf32>
    %jit3A_147 = arith.constant 1073741824 : i32
    %broadcast_in_dim3A_148 = vector.broadcast %jit3A_147 : i32 to vector<256x12544xi32>
    %select_n3A_149 = arith.select %eq3A_146, %iota3A, %broadcast_in_dim3A_148 : vector<256x12544xi1>, vector<256x12544xi32>
    %reduce_min3A_150 = arith.constant dense<2147483647> : vector<256xi32>
    %reduce_min3A_151 = vector.multi_reduction <minsi>, %select_n3A_149, %reduce_min3A_150 [1] : vector<256x12544xi32> to vector<256xi32>
    %broadcast_in_dim3A_152 = vector.shape_cast %reduce_min3A_151 : vector<256xi32> to vector<256x1xi32>
    %broadcast_in_dim3A_153 = arith.constant 0 : i32
    %broadcast_in_dim3A_154 = vector.broadcast %broadcast_in_dim3A_153 : i32 to vector<256x1xi32>
    %broadcast_in_dim3A_155 = arith.constant 0 : i32
    %broadcast_in_dim3A_156 = vector.broadcast %broadcast_in_dim3A_155 : i32 to vector<256x1xi32>
    %concatenate3A = tpu.concatenate %broadcast_in_dim3A_72, %broadcast_in_dim3A_88, %broadcast_in_dim3A_104, %broadcast_in_dim3A_120, %broadcast_in_dim3A_136, %broadcast_in_dim3A_152, %broadcast_in_dim3A_154, %broadcast_in_dim3A_156 in 1 : vector<256x1xi32>, vector<256x1xi32>, vector<256x1xi32>, vector<256x1xi32>, vector<256x1xi32>, vector<256x1xi32>, vector<256x1xi32>, vector<256x1xi32> -> vector<256x8xi32>
    %swap3A = arith.constant 0 : index
    %swap3A_157 = arith.constant 0 : index
    %swap3A_158 = vector.load %arg3[%swap3A, %swap3A_157] : memref<256x8xi32, #tpu.memory_space<vmem>>, vector<256x8xi32>
    tpu.vector_store %arg3[%swap3A, %swap3A_157], %concatenate3A {strides = array<i32>} : memref<256x8xi32, #tpu.memory_space<vmem>>, vector<256x8xi32>,
    return
  }
  func.func @transform_0(%arg0: i32) -> (i32, i32) {
    %c0_i32 = arith.constant 0 : i32
    %c0_i32_0 = arith.constant 0 : i32
    return %arg0, %c0_i32 : i32, i32
  }
  func.func @transform_1(%arg0: i32) -> (i32, i32) {
    %c0_i32 = arith.constant 0 : i32
    %c0_i32_0 = arith.constant 0 : i32
    %c0_i32_1 = arith.constant 0 : i32
    return %c0_i32, %c0_i32_0 : i32, i32
  }
  func.func @transform_2(%arg0: i32) -> (i32, i32) {
    %c0_i32 = arith.constant 0 : i32
    %c0_i32_0 = arith.constant 0 : i32
    return %arg0, %c0_i32 : i32, i32
  }
}

module attributes {stable_mosaic.version = 14 : i64} {
  func.func @_mm_body(%arg0: i32, %arg1: memref<256x256xf32, #tpu.memory_space<vmem>>, %arg2: memref<256x256xf32, #tpu.memory_space<vmem>>, %arg3: memref<8x256xf32, #tpu.memory_space<vmem>>, %arg4: memref<256x256xf32, #tpu.memory_space<vmem>>) attributes {dimension_semantics = [#tpu.dimension_semantics<arbitrary>], iteration_bounds = array<i64: 49>, scalar_prefetch = 0 : i64, scratch_operands = 0 : i64, tpu.core_type = #tpu.core_type<tc>, window_params = [{transform_indices = @transform_0, window_bounds = array<i64: 256, 256>}, {pipeline_mode = #tpu.pipeline_mode<synchronous>, transform_indices = @transform_1, window_bounds = array<i64: 256, 256>}, {pipeline_mode = #tpu.pipeline_mode<synchronous>, transform_indices = @transform_2, window_bounds = array<i64: 8, 256>}, {transform_indices = @transform_3, window_bounds = array<i64: 256, 256>}]} {
    %get3A = arith.constant 0 : index
    %get3A_0 = arith.constant 0 : index
    %get3A_1 = vector.load %arg1[%get3A, %get3A_0] : memref<256x256xf32, #tpu.memory_space<vmem>>, vector<256x256xf32>
    %get3A_2 = arith.constant 0 : index
    %get3A_3 = arith.constant 0 : index
    %get3A_4 = vector.load %arg2[%get3A_2, %get3A_3] : memref<256x256xf32, #tpu.memory_space<vmem>>, vector<256x256xf32>
    %dot_general3A = arith.constant dense<0.000000e+00> : vector<256x256xf32>
    %dot_general3A_5 = tpu.matmul %get3A_1, %get3A_4, %dot_general3A {dimension_numbers = #tpu.dot_dimension_numbers<[1], [0], [0], [1], [0, 0, 1, 1], [], []>, transpose_lhs_hint = false} : vector<256x256xf32>, vector<256x256xf32>, vector<256x256xf32> -> vector<256x256xf32>
    %get3A_6 = arith.constant 0 : index
    %get3A_7 = arith.constant 0 : index
    %get3A_8 = vector.load %arg3[%get3A_6, %get3A_7] : memref<8x256xf32, #tpu.memory_space<vmem>>, vector<1x256xf32>
    %add3A = vector.broadcast %get3A_8 : vector<1x256xf32> to vector<256x256xf32>
    %add3A_9 = arith.addf %dot_general3A_5, %add3A : vector<256x256xf32>
    %swap3A = arith.constant 0 : index
    %swap3A_10 = arith.constant 0 : index
    %swap3A_11 = vector.load %arg4[%swap3A, %swap3A_10] : memref<256x256xf32, #tpu.memory_space<vmem>>, vector<256x256xf32>
    tpu.vector_store %arg4[%swap3A, %swap3A_10], %add3A_9 {strides = array<i32>} : memref<256x256xf32, #tpu.memory_space<vmem>>, vector<256x256xf32>,
    return
  }
  func.func @transform_0(%arg0: i32) -> (i32, i32) {
    %c0_i32 = arith.constant 0 : i32
    %c0_i32_0 = arith.constant 0 : i32
    return %arg0, %c0_i32 : i32, i32
  }
  func.func @transform_1(%arg0: i32) -> (i32, i32) {
    %c0_i32 = arith.constant 0 : i32
    %c0_i32_0 = arith.constant 0 : i32
    %c0_i32_1 = arith.constant 0 : i32
    return %c0_i32, %c0_i32_0 : i32, i32
  }
  func.func @transform_2(%arg0: i32) -> (i32, i32) {
    %c0_i32 = arith.constant 0 : i32
    %c0_i32_0 = arith.constant 0 : i32
    %c0_i32_1 = arith.constant 0 : i32
    return %c0_i32, %c0_i32_0 : i32, i32
  }
  func.func @transform_3(%arg0: i32) -> (i32, i32) {
    %c0_i32 = arith.constant 0 : i32
    %c0_i32_0 = arith.constant 0 : i32
    return %arg0, %c0_i32 : i32, i32
  }
}

module attributes {stable_mosaic.version = 14 : i64} {
  func.func @_edge_body(%arg0: i32, %arg1: memref<768x3xf32, #tpu.memory_space<vmem>>, %arg2: memref<768x3xf32, #tpu.memory_space<vmem>>, %arg3: memref<768x4xf32, #tpu.memory_space<vmem>>, %arg4: memref<768x4xf32, #tpu.memory_space<vmem>>) attributes {dimension_semantics = [#tpu.dimension_semantics<arbitrary>], iteration_bounds = array<i64: 98>, scalar_prefetch = 0 : i64, scratch_operands = 0 : i64, tpu.core_type = #tpu.core_type<tc>, window_params = [{transform_indices = @transform_0, window_bounds = array<i64: 768, 3>}, {transform_indices = @transform_1, window_bounds = array<i64: 768, 3>}, {transform_indices = @transform_2, window_bounds = array<i64: 768, 4>}, {transform_indices = @transform_3, window_bounds = array<i64: 768, 4>}]} {
    %get3A = arith.constant 0 : index
    %get3A_0 = arith.constant 0 : index
    %get3A_1 = vector.load %arg1[%get3A, %get3A_0] : memref<768x3xf32, #tpu.memory_space<vmem>>, vector<768x3xf32>
    %get3A_2 = arith.constant 0 : index
    %get3A_3 = arith.constant 0 : index
    %get3A_4 = vector.load %arg2[%get3A_2, %get3A_3] : memref<768x3xf32, #tpu.memory_space<vmem>>, vector<768x3xf32>
    %sub3A = arith.subf %get3A_1, %get3A_4 : vector<768x3xf32>
    %mul3A = arith.mulf %sub3A, %sub3A : vector<768x3xf32>
    %reduce_sum3A = arith.constant dense<0.000000e+00> : vector<768xf32>
    %reduce_sum3A_5 = vector.multi_reduction <add>, %mul3A, %reduce_sum3A [1] : vector<768x3xf32> to vector<768xf32>
    %broadcast_in_dim3A = vector.shape_cast %reduce_sum3A_5 : vector<768xf32> to vector<768x1xf32>
    %sqrt3A = math.sqrt %broadcast_in_dim3A : vector<768x1xf32>
    %concatenate3A = tpu.concatenate %sub3A, %sqrt3A in 1 : vector<768x3xf32>, vector<768x1xf32> -> vector<768x4xf32>
    %swap3A = arith.constant 0 : index
    %swap3A_6 = arith.constant 0 : index
    %swap3A_7 = vector.load %arg3[%swap3A, %swap3A_6] : memref<768x4xf32, #tpu.memory_space<vmem>>, vector<768x4xf32>
    tpu.vector_store %arg3[%swap3A, %swap3A_6], %concatenate3A {strides = array<i32>} : memref<768x4xf32, #tpu.memory_space<vmem>>, vector<768x4xf32>,
    %neg3A = arith.constant 0.000000e+00 : f32
    %neg3A_8 = vector.broadcast %neg3A : f32 to vector<768x3xf32>
    %neg3A_9 = arith.subf %neg3A_8, %sub3A : vector<768x3xf32>
    %concatenate3A_10 = tpu.concatenate %neg3A_9, %sqrt3A in 1 : vector<768x3xf32>, vector<768x1xf32> -> vector<768x4xf32>
    %swap3A_11 = arith.constant 0 : index
    %swap3A_12 = arith.constant 0 : index
    %swap3A_13 = vector.load %arg4[%swap3A_11, %swap3A_12] : memref<768x4xf32, #tpu.memory_space<vmem>>, vector<768x4xf32>
    tpu.vector_store %arg4[%swap3A_11, %swap3A_12], %concatenate3A_10 {strides = array<i32>} : memref<768x4xf32, #tpu.memory_space<vmem>>, vector<768x4xf32>,
    return
  }
  func.func @transform_0(%arg0: i32) -> (i32, i32) {
    %c0_i32 = arith.constant 0 : i32
    %c0_i32_0 = arith.constant 0 : i32
    return %arg0, %c0_i32 : i32, i32
  }
  func.func @transform_1(%arg0: i32) -> (i32, i32) {
    %c0_i32 = arith.constant 0 : i32
    %c0_i32_0 = arith.constant 0 : i32
    return %arg0, %c0_i32 : i32, i32
  }
  func.func @transform_2(%arg0: i32) -> (i32, i32) {
    %c0_i32 = arith.constant 0 : i32
    %c0_i32_0 = arith.constant 0 : i32
    return %arg0, %c0_i32 : i32, i32
  }
  func.func @transform_3(%arg0: i32) -> (i32, i32) {
    %c0_i32 = arith.constant 0 : i32
    %c0_i32_0 = arith.constant 0 : i32
    return %arg0, %c0_i32 : i32, i32
  }
}

</mosaic_0001>

<sc_bundles>
// kernel: kernel.10.cloned.1.call-start
scs
__scs_entry_jumppad:
0x0: {  	(pc) =	sbr.rel $0x88, $3  }
0x1: {  	(tag) =	ssettag $0x0;
	lr =	simm.s32 $0x1  }
0x2: {  	[smem:$0x3F9C] =	sst lr;
	_ =	strace $0xD0000000  }
0x3: {  	_ = 	snop  }
0x4: {  	_ = 	snop  }
0x5: {  	_ = 	snop  }
0x6: {  	_ = 	snop  }
0x7: {  	_ = 	snop  }
__scs_overlays_trampoline_lowered:
0x8: {  	[smem:$0x3FAB] =	sst s0  }
0x9: {  	[smem:$0x3FAC] =	sst s1  }
0xa: {  	[smem:$0x3FAD] =	sst s2  }
0xb: {  	[smem:$0x3FAE] =	sst s3  }
0xc: {  	[smem:$0x3FAF] =	sst s4  }
0xd: {  	[smem:$0x3FB0] =	sst s5  }
0xe: {  	[smem:$0x3FB1] =	sst s6  }
0xf: {  	[smem:$0x3FB2] =	sst s7  }
0x10: {  	[smem:$0x3FB3] =	sst s8  }
0x11: {  	[smem:$0x3FB4] =	sst s9;
	s0 =	simm.s32 @!p0 $0x0  }
0x12: {  	s1 =	sld [smem:$0x3F9A];
	s0 =	simm.s32 @p0 $0x1  }
0x13: {  	[smem:$0x3FB5] =	sst s0;
	s0 =	simm.s32 @!p1 $0x0  }
0x14: {  	s2 =	sld [smem:$0x3F99];
	s0 =	simm.s32 @p1 $0x1  }
0x15: {  	[smem:$0x3FB6] =	sst s0;
	s0 =	simm.s32 @!p2 $0x0  }
0x16: {  	s3 =	sld [smem:$0x3FDB];
	s0 =	simm.s32 @p2 $0x1  }
0x17: {  	s4 =	simm.s32 $0x1BF5;
	[smem:$0x3FB8] =	sst s0  }
0x18: {  	s0 =	sld [smem:$0x3F9B];
	_ =	swait.ge [sflag:s4], $0x0  }
0x19: {  	s7 =	sld [smem:$0x3F9C]  }
0x1a: {  	s8 =	sadd.s32 $0xFFFFE003, lr  }
0x1b: {  	s9 =	sadd.s32 $0xFFFFFEF7, lr;
	s5 =	simm.s32 $0xFFFFFFFF;
	p2 =	slt.u32 s8, $0xFFFFF086  }
0x1c: {  	p1 =	slt.u32 s9, $0xF7A;
	s5 =	simm.s32 @!p2 $0x0  }
0x1d: {  	s5 =	simm.s32 @p1 $0x1;
	p0 =	seq.s32 s7, s2  }
0x1e: {  	s7 =	smul.u32 @!p0 $0xF7A, s2;
	p2 =	seq.s32 @!p0 s5, $0x0  }
0x1f: {  	s9 =	smul.u32 $0xF7A, s1;
	s8 =	simm.s32 @!p0 $0x1BF5;
	p2 =	por !p2, p0  }
0x20: {  	[sflag:s8] =	ssyncset.s32 @!p0 $0xFFFFF086;
	s6 =	sadd.s32 @!p0 s3, s7;
	s7 =	simm.s32 @!p0 $0x108  }
0x21: {  	s3 =	sadd.s32 s3, s9;
	s6 =	sadd.s32 @!p0 $0x88, s6;
	s7 =	simm.s32 @p2 $0x1082  }
0x22: {  	[simem:s7], [sflag:s8] =	dma.local @!p0 [hbm:s6], $0xF7A  }
0x23: {  	s9 =	sor.u32 $0xD0000000, s2;
	s6 =	simm.s32 $0x108;
	_ =	swait.ge @!p0 [sflag:s8], $0x0  }
0x24: {  	s3 =	sadd.s32 $0x88, s3;
	s6 =	simm.s32 @!p1 $0x1082;
	[sflag:s4] =	ssyncset.s32 $0xFFFFF086  }
0x25: {  	[simem:s6], [sflag:s4] =	dma.local [hbm:s3], $0xF7A  }
0x26: {  	[smem:$0x3F9C] =	sst s1;
	(tag) =	ssettag s2;
	_ =	strace s9  }
0x27: {  	s1 =	sld [smem:$0x3FAC]  }
0x28: {  	s2 =	sld [smem:$0x3FAD]  }
0x29: {  	s4 =	sld [smem:$0x3FAF]  }
0x2a: {  	p0 =	seq.s32 s5, $0x0;
	s5 =	sld [smem:$0x3FB0]  }
0x2b: {  	s6 =	sld [smem:$0x3FB1]  }
0x2c: {  	s7 =	sld [smem:$0x3FB2]  }
0x2d: {  	s3 =	simm.s32 $0x108;
	s8 =	sld [smem:$0x3FB3]  }
0x2e: {  	s3 =	simm.s32 @!p0 $0x1082;
	s9 =	sld [smem:$0x3FB4]  }
0x2f: {  	lr =	sadd.s32 s0, s3;
	s0 =	sld [smem:$0x3FAB]  }
0x30: {  	s3 =	sld [smem:$0x3FAE]  }
0x31: {  	[smem:$0x3FB7] =	sst s10  }
0x32: {  	s10 =	sld [smem:$0x3FB5];
	_ =	sdelay $0x3  }
0x33: {  	p0 =	seq.s32 s10, $0x1;
	s10 =	sld [smem:$0x3FB7];
	_ =	sdelay $0x3  }
0x34: {  	[smem:$0x3FB7] =	sst s10  }
0x35: {  	s10 =	sld [smem:$0x3FB6];
	_ =	sdelay $0x3  }
0x36: {  	p1 =	seq.s32 s10, $0x1;
	s10 =	sld [smem:$0x3FB7];
	_ =	sdelay $0x3  }
0x37: {  	[smem:$0x3FB7] =	sst s10  }
0x38: {  	s10 =	sld [smem:$0x3FB8]  }
0x39: {  	_ = 	snop;
	(pc) =	sbr.ind lr, $3  }
0x3a: {  	_ = 	snop  }
0x3b: {  	_ = 	snop  }
0x3c: {  	p2 =	seq.s32 s10, $0x1;
	s10 =	sld [smem:$0x3FB7]  }
0x3d: {  	_ =	shalt  }
0x3e: {  	_ =	shalt  }
0x3f: {  	_ =	shalt  }
0x40: {  	_ =	shalt  }
0x41: {  	_ =	shalt  }
0x42: {  	_ =	shalt  }
0x43: {  	_ =	shalt  }
0x44: {  	_ =	shalt  }
0x45: {  	_ =	shalt  }
0x46: {  	_ =	shalt  }
0x47: {  	_ =	shalt  }
0x48: {  	_ =	shalt  }
0x49: {  	_ =	shalt  }
0x4a: {  	_ =	shalt  }
0x4b: {  	_ =	shalt  }
0x4c: {  	_ =	shalt  }
0x4d: {  	_ =	shalt  }
0x4e: {  	_ =	shalt  }
0x4f: {  	_ =	shalt  }
0x50: {  	_ =	shalt  }
0x51: {  	_ =	shalt  }
0x52: {  	_ =	shalt  }
0x53: {  	_ =	shalt  }
0x54: {  	_ =	shalt  }
0x55: {  	_ =	shalt  }
0x56: {  	_ =	shalt  }
0x57: {  	_ =	shalt  }
0x58: {  	_ =	shalt  }
0x59: {  	_ =	shalt  }
0x5a: {  	_ =	shalt  }
0x5b: {  	_ =	shalt  }
0x5c: {  	_ =	shalt  }
0x5d: {  	_ =	shalt  }
0x5e: {  	_ =	shalt  }
0x5f: {  	_ =	shalt  }
0x60: {  	_ =	shalt  }
0x61: {  	_ =	shalt  }
0x62: {  	_ =	shalt  }
0x63: {  	_ =	shalt  }
0x64: {  	_ =	shalt  }
0x65: {  	_ =	shalt  }
0x66: {  	_ =	shalt  }
0x67: {  	_ =	shalt  }
0x68: {  	_ =	shalt  }
0x69: {  	_ =	shalt  }
0x6a: {  	_ =	shalt  }
0x6b: {  	_ =	shalt  }
0x6c: {  	_ =	shalt  }
0x6d: {  	_ =	shalt  }
0x6e: {  	_ =	shalt  }
0x6f: {  	_ =	shalt  }
0x70: {  	_ =	shalt  }
0x71: {  	_ =	shalt  }
0x72: {  	_ =	shalt  }
0x73: {  	_ =	shalt  }
0x74: {  	_ =	shalt  }
0x75: {  	_ =	shalt  }
0x76: {  	_ =	shalt  }
0x77: {  	_ =	shalt  }
0x78: {  	_ =	shalt  }
0x79: {  	_ =	shalt  }
0x7a: {  	_ =	shalt  }
0x7b: {  	_ =	shalt  }
0x7c: {  	_ =	shalt  }
0x7d: {  	_ =	shalt  }
0x7e: {  	_ =	shalt  }
0x7f: {  	_ =	shalt  }
0x80: {  	_ =	shalt  }
0x81: {  	_ =	shalt  }
0x82: {  	_ =	shalt  }
0x83: {  	_ =	shalt  }
0x84: {  	_ =	shalt  }
0x85: {  	_ =	shalt  }
0x86: {  	_ =	shalt  }
0x87: {  	_ =	shalt  }
.Lfunc_end0:
.L_simem_size_0:
called_computation.1_lowered:
.L_overlay_start_0:
0x88: {  	s2 =	sld [smem:$0x3FD9]  }
0x89: {  	s3 =	sld [smem:$0x3FFE];
	_ =	sdelay $0x1  }
0x8a: {  	s1 =	srdreg.scid  }
0x8b: {  	s0 =	sand.u32 $0x1, s1  }
0x8c: {  	s14 =	sshll.u32 s0, $0xA;
	s2 =	sadd.s32 s3, s2  }
0x8d: {  	s2 =	sadd.s32 s2, s14  }
0x8e: {  	[smem:$0x3FC3] =	sst s2  }
0x8f: {  	_ = 	snop  }
0x90: {  	s2 =	sld [smem:$0x3FD0];
	_ =	sdelay $0x2  }
0x91: {  	s15 =	simm.s32 $0xA;
	s4 =	simm.s32 $0x10  }
0x92: {  	[smem:s4], [sflag:s15] =	dma.local [hbm:s2], $0x1  }
0x93: {  	_ =	swait.eq [sflag:s15], $0x1  }
0x94: {  	[sflag:s15] =	ssyncset.done $0x0  }
0x95: {  	[sflag:s15] =	ssyncadd.s32 $0xFFFFFFFF  }
0x96: {  	s16 =	sld [smem:$0x13];
	(tm) =	ssettm $0x1  }
0x97: {  	s17 =	sld [smem:$0x3FFB];
	_ =	sdelay $0x3  }
0x98: {  	_ =	strace s17  }
0x99: {  	s3 =	sld [smem:$0x3FFC];
	_ =	sdelay $0x3  }
0x9a: {  	_ =	strace s3  }
0x9b: {  	s3 =	sld [smem:$0x3FFD];
	_ =	sdelay $0x3  }
0x9c: {  	_ =	strace s3  }
0x9d: {  	_ =	strace $0x8FFFFFFF  }
0x9e: {  	s18 =	sld [smem:$0x3FDB];
	_ =	sdelay $0x1  }
0x9f: {  	s19 =	simm.s32 $_scs_section_size  }
0xa0: {  	s5 =	simm.s32 $_size__tile_overlayer_lowered;
	s6 =	simm.s32 $_tile_overlayer_lowered  }
0xa1: {  	s22 =	simm.s32 $0x1BFF;
	s21 =	sshll.u32 s6, $0x1;
	s3 =	sadd.s32 s19, s18  }
0xa2: {  	s7 =	simm.s32 $0x0;
	s20 =	sshll.u32 s5, $0x1;
	s5 =	sadd.s32 s21, s3  }
0xa3: {  	[timem:s7], [sflag:s22] =	dma.local [hbm:s5], s20  }
0xa4: {  	_ =	swait.ge [sflag:s22], s20  }
0xa5: {  	s4 =	ssub.s32 $0x0, s20;
	[sflag:s22] =	ssyncset.done $0x0  }
0xa6: {  	[sflag:s22] =	ssyncadd.s32 s4;
	_ =	sdelay $0x1  }
0xa7: {  	s23 =	simm.s32 $0x1B8B  }
0xa8: {  	_ =	swait.ge [sflag:s23], $0x1  }
0xa9: {  	[sflag:s23] =	ssyncset.done $0x0  }
0xaa: {  	s25 =	simm.s32 $0x1B8E;
	s24 =	sld [smem:$0x3FFE];
	[sflag:s23] =	ssyncadd.s32 $0xFFFFFFFF  }
0xab: {  	s26 =	simm.s32 $execute0_lowered;
	[smem:$0x3FD2] =	sst s25  }
0xac: {  	s5 =	sshll.u32 s26, $0x1;
	_ =	strace $0x80000049;
	[dreg:$0x1] =	wrdreg $0xFFFFFFFF  }
0xad: {  	s28 =	simm.s32 $_size_execute0_lowered;
	s3 =	sadd.s32 s3, s5;
	[dreg:$0x0] =	wrdreg $0x0  }
0xae: {  	s5 =	sshll.u32 s28, $0x1;
	[dreg:$0x2] =	wrdreg s3  }
0xaf: {  	[dreg:$0x3] =	wrdreg s5  }
0xb0: {  	[dreg:$0x4] =	wrdreg $0xC0  }
0xb1: {  	_ =	task [dreg:s7], $0x5FFFF  }
0xb2: {  	[dreg:$0x1] =	wrdreg $0xFFFFFFFF  }
0xb3: {  	[dreg:$0x0] =	wrdreg $0x60  }
0xb4: {  	[dreg:$0x2] =	wrdreg s24  }
0xb5: {  	[dreg:$0x3] =	wrdreg s16  }
0xb6: {  	[dreg:$0x4] =	wrdreg $0x9  }
0xb7: {  	_ =	task.clear_ibuf [dreg:s7], $0x5FFFF;
	_ =	strace $0x90000049  }
0xb8: {  	s29 =	simm.s32 $0x9;
	_ =	strace $0x8000004B  }
0xb9: {  	_ =	swait.ge [sflag:s29], $0x1  }
0xba: {  	[sflag:s29] =	ssyncadd.s32 $0xFFFFFFFF  }
0xbb: {  	_ =	strace $0x9000004B  }
0xbc: {  	_ =	sfence  }
0xbd: {  	s30 =	sld [smem:$0x0];
	_ =	sdelay $0x2  }
0xbe: {  	s31 =	sshll.u32 s1, $0xD;
	s1 =	sshrl.u32 s1, $0x2  }
0xbf: {  	s3 =	sand.u32 $0x4000, s31;
	s1 =	sadd.s32 s1, s30  }
0xc0: {  	s0 =	sor.u32 s3, s0;
	s1 =	sshll.u32 s1, $0x11  }
0xc1: {  	s0 =	sor.u32 s1, s0  }
0xc2: {  	s0 =	sadd.s32 $0x8F2B, s0  }
0xc3: {  	[sflag:s0] =	ssyncadd.remote.s32 $0x1  }
0xc4: {  	_ =	sfence.sel $0xFFFF  }
0xc5: {  	[dreg:$0x0] =	wrdreg $0xFFFFFFFF;
	(pc) =	sbr.abs _section_cstart, $3  }
0xc6: {  	[dreg:$0x1] =	wrdreg $0xFFFFFFFF  }
0xc7: {  	_ =	task.clear_ibuf [dreg:s7], $0x2FFFF;
	_ =	strace $0x9FFFFFFF  }
0xc8: {  	(tm) =	ssettm $0x7FFFFFFF  }
0xc9: {  	_ =	shalt  }
tec
execute0_lowered:
.L_overlay_start_1:
0x0: {  	(tag) =	ssettag $0x1  }
0x1: {  	s1 =	srdreg.scid;
	s0 =	stileid.u32  }
0x2: {  	s15 =	sand.u32 $0x1, s1;
	s28 =	sshll.u32 s0, $0x1  }
0x3: {  	s13 =	rddreg [dreg:$0x0];
	s14 =	sor.u32 s15, s28  }
0x4: {  	s7 =	rddreg [dreg:$0x1];
	s8 =	smul.u32 $0x930, s14  }
0x5: {  	s2 =	simm.s32 $0x0;
	s1 =	rddreg [dreg:$0x2]  }
0x6: {  	[smem:$0x7FF] =	sst s2;
	s3 =	sshrl.u32 s8, $0x3  }
0x7: {  	_ =	strace $0x8000004A;
	s4 =	sadd.s32 s7, s3;
	s3 =	simm.s32 $0x2  }
0x8: {  	[tilespmem:s2], [sflag:$0x2] =	stream.linear.gather [hbm4b:s4+s2], $0x310, $0x38;
	[tilespmem:$0x19280] =	vst v63  }
0x9: {  	s16 =	sadd.s32 $0x310, s8;
	_ =	swait.ge [sflag:s3], $0x310  }
0xa: {  	s5 =	sshrl.u32 s16, $0x3;
	[sflag:s3] =	ssyncset.done $0x0  }
0xb: {  	s6 =	simm.s32 $0x380;
	s5 =	sadd.s32 s7, s5;
	[sflag:s3] =	ssyncadd.s32 $0xFFFFFCF0  }
0xc: {  	[tilespmem:s6], [sflag:$0x2] =	stream.linear.gather [hbm4b:s5+s2], $0x310, $0x38;
	[tilespmem:$0x19280] =	vst v63  }
0xd: {  	s17 =	sadd.s32 $0x620, s8;
	_ =	swait.ge [sflag:s3], $0x310  }
0xe: {  	s8 =	sshrl.u32 s17, $0x3;
	[sflag:s3] =	ssyncset.done $0x0  }
0xf: {  	s7 =	sadd.s32 s7, s8;
	s8 =	simm.s32 $0x700;
	[sflag:s3] =	ssyncadd.s32 $0xFFFFFCF0  }
0x10: {  	[tilespmem:s8], [sflag:$0x2] =	stream.linear.gather [hbm4b:s7+s2], $0x310, $0x38;
	[tilespmem:$0x19280] =	vst v63  }
0x11: {  	_ =	swait.ge [sflag:s3], $0x310  }
0x12: {  	s10 =	simm.s32 $0x310;
	s11 =	simm.s32 $0xA80;
	[sflag:s3] =	ssyncset.done $0x0  }
0x13: {  	s12 =	simm.s32 $0x1;
	s9 =	sadd.s32 $0x125600, s13;
	[sflag:s3] =	ssyncadd.s32 $0xFFFFFCF0  }
0x14: {  	[tilespmem:s11], [sflag:$0x1] =	stream.indirect.gather [hbm4b:s9+s10], $0x80, s2, s10, $0xb8;
	[tilespmem:$0x19280] =	vst v63  }
0x15: {  	s14 =	smul.u32 $0x9300, s14;
	_ =	swait.ge [sflag:s12], $0x18800  }
0x16: {  	s18 =	sadd.s32 $0x156600, s13;
	[sflag:s12] =	ssyncset.done $0x0  }
0x17: {  	s13 =	sadd.s32 s18, s14;
	[sflag:s12] =	ssyncadd.s32 $0xFFFE7800  }
0x18: {  	[hbm4b:s13+s2] =	stream.linear.scatter [tilespmem:s11], [sflag:$0x2], $0x18800, $0x38;
	[tilespmem:$0x19280] =	vst v63  }
0x19: {  	_ =	swait.ge [sflag:s3], $0x18800  }
0x1a: {  	[sflag:s3] =	ssyncset.done $0x0  }
0x1b: {  	[sflag:s3] =	ssyncadd.s32 $0xFFFE7800  }
0x1c: {  	[tilespmem:s11], [sflag:$0x1] =	stream.indirect.gather [hbm4b:s9+s10], $0x80, s6, s10, $0xb8;
	[tilespmem:$0x19280] =	vst v63  }
0x1d: {  	_ =	swait.ge [sflag:s12], $0x18800  }
0x1e: {  	s29 =	sshll.u32 s16, $0x4;
	[sflag:s12] =	ssyncset.done $0x0  }
0x1f: {  	s15 =	ssub.s32 $0x2, s15;
	s14 =	sadd.s32 s18, s29;
	[sflag:s12] =	ssyncadd.s32 $0xFFFE7800  }
0x20: {  	[hbm4b:s14+s2] =	stream.linear.scatter [tilespmem:s11], [sflag:$0x2], $0x18800, $0x38;
	[tilespmem:$0x19280] =	vst v63  }
0x21: {  	s30 =	sshrl.u32 s15, $0x1;
	_ =	swait.ge [sflag:s3], $0x18800  }
0x22: {  	s16 =	ssub.s32 s15, s30;
	[sflag:s3] =	ssyncset.done $0x0  }
0x23: {  	s16 =	smax.u32 s16, $0x1;
	[sflag:s3] =	ssyncadd.s32 $0xFFFE7800  }
0x24: {  	[tilespmem:s11], [sflag:$0x1] =	stream.indirect.gather [hbm4b:s9+s10], $0x80, s8, s10, $0xb8;
	[tilespmem:$0x19280] =	vst v63  }
0x25: {  	p0 =	sne.s32 s16, $0x1;
	_ =	swait.ge [sflag:s12], $0x18800  }
.Ltmp0:
0x26: {  	s31 =	sshll.u32 s17, $0x4;
	[sflag:s12] =	ssyncset.done $0x0;
	(pc) =	sbr.rel @!p0 .LBB2_2-.Ltmp0, $4  }
0x27: {  	s15 =	sadd.s32 s18, s31;
	[sflag:s12] =	ssyncadd.s32 $0xFFFE7800  }
0x28: {  	[hbm4b:s15+s2] =	stream.linear.scatter [tilespmem:s11], [sflag:$0x2], $0x18800, $0x38;
	[tilespmem:$0x19280] =	vst v63  }
0x29: {  	_ =	swait.ge [sflag:s3], $0x18800  }
0x2a: {  	s16 =	sadd.s32 $0xFFFFFFFF, s16;
	[sflag:s3] =	ssyncset.done $0x0  }
.LBB2_1:
0x2b: {  	p0 =	sne.s32 s16, $0x1;
	s16 =	sadd.s32 $0xFFFFFFFF, s16;
	[sflag:s3] =	ssyncadd.s32 $0xFFFE7800  }
0x2c: {  	[tilespmem:s2], [sflag:$0x2] =	stream.linear.gather [hbm4b:s4+s2], $0x310, $0x38;
	[tilespmem:$0x19280] =	vst v63  }
0x2d: {  	_ =	swait.ge [sflag:s3], $0x310  }
0x2e: {  	[sflag:s3] =	ssyncset.done $0x0  }
0x2f: {  	[sflag:s3] =	ssyncadd.s32 $0xFFFFFCF0  }
0x30: {  	[tilespmem:s6], [sflag:$0x2] =	stream.linear.gather [hbm4b:s5+s2], $0x310, $0x38;
	[tilespmem:$0x19280] =	vst v63  }
0x31: {  	_ =	swait.ge [sflag:s3], $0x310  }
0x32: {  	[sflag:s3] =	ssyncset.done $0x0  }
0x33: {  	[sflag:s3] =	ssyncadd.s32 $0xFFFFFCF0  }
0x34: {  	[tilespmem:s8], [sflag:$0x2] =	stream.linear.gather [hbm4b:s7+s2], $0x310, $0x38;
	[tilespmem:$0x19280] =	vst v63  }
0x35: {  	_ =	swait.ge [sflag:s3], $0x310  }
0x36: {  	[sflag:s3] =	ssyncset.done $0x0  }
0x37: {  	[sflag:s3] =	ssyncadd.s32 $0xFFFFFCF0  }
0x38: {  	[tilespmem:s11], [sflag:$0x1] =	stream.indirect.gather [hbm4b:s9+s10], $0x80, s2, s10, $0xb8;
	[tilespmem:$0x19280] =	vst v63  }
0x39: {  	_ =	swait.ge [sflag:s12], $0x18800  }
0x3a: {  	[sflag:s12] =	ssyncset.done $0x0  }
0x3b: {  	[sflag:s12] =	ssyncadd.s32 $0xFFFE7800  }
0x3c: {  	[hbm4b:s13+s2] =	stream.linear.scatter [tilespmem:s11], [sflag:$0x2], $0x18800, $0x38;
	[tilespmem:$0x19280] =	vst v63  }
0x3d: {  	_ =	swait.ge [sflag:s3], $0x18800  }
0x3e: {  	[sflag:s3] =	ssyncset.done $0x0  }
0x3f: {  	[sflag:s3] =	ssyncadd.s32 $0xFFFE7800  }
0x40: {  	[tilespmem:s11], [sflag:$0x1] =	stream.indirect.gather [hbm4b:s9+s10], $0x80, s6, s10, $0xb8;
	[tilespmem:$0x19280] =	vst v63  }
0x41: {  	_ =	swait.ge [sflag:s12], $0x18800  }
0x42: {  	[sflag:s12] =	ssyncset.done $0x0  }
0x43: {  	[sflag:s12] =	ssyncadd.s32 $0xFFFE7800  }
0x44: {  	[hbm4b:s14+s2] =	stream.linear.scatter [tilespmem:s11], [sflag:$0x2], $0x18800, $0x38;
	[tilespmem:$0x19280] =	vst v63  }
0x45: {  	_ =	swait.ge [sflag:s3], $0x18800  }
0x46: {  	[sflag:s3] =	ssyncset.done $0x0  }
0x47: {  	[sflag:s3] =	ssyncadd.s32 $0xFFFE7800  }
0x48: {  	[tilespmem:s11], [sflag:$0x1] =	stream.indirect.gather [hbm4b:s9+s10], $0x80, s8, s10, $0xb8;
	[tilespmem:$0x19280] =	vst v63  }
0x49: {  	_ =	swait.ge [sflag:s12], $0x18800  }
.Ltmp1:
0x4a: {  	[sflag:s12] =	ssyncset.done $0x0;
	(pc) =	sbr.rel @p0 .LBB2_1-.Ltmp1, $4  }
0x4b: {  	[sflag:s12] =	ssyncadd.s32 $0xFFFE7800  }
0x4c: {  	[hbm4b:s15+s2] =	stream.linear.scatter [tilespmem:s11], [sflag:$0x2], $0x18800, $0x38;
	[tilespmem:$0x19280] =	vst v63  }
0x4d: {  	_ =	swait.ge [sflag:s3], $0x18800  }
0x4e: {  	[sflag:s3] =	ssyncset.done $0x0  }
.LBB2_2:
0x4f: {  	[sflag:s3] =	ssyncadd.s32 $0xFFFE7800  }
0x50: {  	_ =	sfence.sel $0x180000  }
0x51: {  	[bflag:$0x0] =	sbarrier.arrive $0xFFFF  }
0x52: {  	p0 =	sne.s32 s0, $0x0;
	_ =	strace $0x9000004A  }
0x53: {  	s0 =	sadd.s32 @!p0 $0x100000, s1;
	[bflag:$0x2] =	sbarrier.arrive $0xFFFF  }
0x54: {  	[sflag:s0] =	ssyncadd.tile.s32 @!p0 $0x1;
	_ =	shalt  }
.Lfunc_end2:
_tile_overlayer_lowered:
.L_overlay_start_2:
0x55: {  	(tag) =	ssettag $0x2  }
0x56: {  	s0 =	rddreg [dreg:$0x0];
	s2 =	stileid.u32  }
0x57: {  	s1 =	rddreg [dreg:$0x1];
	p0 =	sne.s32 s2, $0x0  }
0x58: {  	s3 =	rddreg [dreg:$0x2];
	[bflag:$0x3] =	sbarrier.arrive $0xFFFF;
	s2 =	simm.s32 @!p0 $0x1C02  }
0x59: {  	[timem:s3], [sflag:s2] =	dma.local @!p0 [hbm:s0], s1  }
0x5a: {  	s0 =	simm.s32 @!p0 $0x2  }
0x5b: {  	_ =	swait.ge @!p0 [sflag:s0], s1  }
0x5c: {  	s1 =	ssub.s32 @!p0 $0x0, s1;
	[sflag:s0] =	ssyncset.done @!p0 $0x0  }
0x5d: {  	[sflag:s0] =	ssyncadd.s32 @!p0 s1  }
0x5e: {  	[bflag:$0x3] =	sbarrier.arrive $0xFFFF  }
0x5f: {  	_ =	shalt  }

// kernel: kernel.7.cloned.1.call-start
scs
__scs_entry_jumppad:
0x0: {  	(pc) =	sbr.rel $0x88, $3  }
0x1: {  	(tag) =	ssettag $0x0;
	lr =	simm.s32 $0x1  }
0x2: {  	[smem:$0x3F9C] =	sst lr;
	_ =	strace $0xD0000000  }
0x3: {  	_ = 	snop  }
0x4: {  	_ = 	snop  }
0x5: {  	_ = 	snop  }
0x6: {  	_ = 	snop  }
0x7: {  	_ = 	snop  }
__scs_overlays_trampoline_lowered:
0x8: {  	[smem:$0x3FAB] =	sst s0  }
0x9: {  	[smem:$0x3FAC] =	sst s1  }
0xa: {  	[smem:$0x3FAD] =	sst s2  }
0xb: {  	[smem:$0x3FAE] =	sst s3  }
0xc: {  	[smem:$0x3FAF] =	sst s4  }
0xd: {  	[smem:$0x3FB0] =	sst s5  }
0xe: {  	[smem:$0x3FB1] =	sst s6  }
0xf: {  	[smem:$0x3FB2] =	sst s7  }
0x10: {  	[smem:$0x3FB3] =	sst s8  }
0x11: {  	[smem:$0x3FB4] =	sst s9;
	s0 =	simm.s32 @!p0 $0x0  }
0x12: {  	s1 =	sld [smem:$0x3F9A];
	s0 =	simm.s32 @p0 $0x1  }
0x13: {  	[smem:$0x3FB5] =	sst s0;
	s0 =	simm.s32 @!p1 $0x0  }
0x14: {  	s2 =	sld [smem:$0x3F99];
	s0 =	simm.s32 @p1 $0x1  }
0x15: {  	[smem:$0x3FB6] =	sst s0;
	s0 =	simm.s32 @!p2 $0x0  }
0x16: {  	s3 =	sld [smem:$0x3FDB];
	s0 =	simm.s32 @p2 $0x1  }
0x17: {  	s4 =	simm.s32 $0x1BF5;
	[smem:$0x3FB8] =	sst s0  }
0x18: {  	s0 =	sld [smem:$0x3F9B];
	_ =	swait.ge [sflag:s4], $0x0  }
0x19: {  	s7 =	sld [smem:$0x3F9C]  }
0x1a: {  	s8 =	sadd.s32 $0xFFFFE003, lr  }
0x1b: {  	s9 =	sadd.s32 $0xFFFFFEF7, lr;
	s5 =	simm.s32 $0xFFFFFFFF;
	p2 =	slt.u32 s8, $0xFFFFF086  }
0x1c: {  	p1 =	slt.u32 s9, $0xF7A;
	s5 =	simm.s32 @!p2 $0x0  }
0x1d: {  	s5 =	simm.s32 @p1 $0x1;
	p0 =	seq.s32 s7, s2  }
0x1e: {  	s7 =	smul.u32 @!p0 $0xF7A, s2;
	p2 =	seq.s32 @!p0 s5, $0x0  }
0x1f: {  	s9 =	smul.u32 $0xF7A, s1;
	s8 =	simm.s32 @!p0 $0x1BF5;
	p2 =	por !p2, p0  }
0x20: {  	[sflag:s8] =	ssyncset.s32 @!p0 $0xFFFFF086;
	s6 =	sadd.s32 @!p0 s3, s7;
	s7 =	simm.s32 @!p0 $0x108  }
0x21: {  	s3 =	sadd.s32 s3, s9;
	s6 =	sadd.s32 @!p0 $0x88, s6;
	s7 =	simm.s32 @p2 $0x1082  }
0x22: {  	[simem:s7], [sflag:s8] =	dma.local @!p0 [hbm:s6], $0xF7A  }
0x23: {  	s9 =	sor.u32 $0xD0000000, s2;
	s6 =	simm.s32 $0x108;
	_ =	swait.ge @!p0 [sflag:s8], $0x0  }
0x24: {  	s3 =	sadd.s32 $0x88, s3;
	s6 =	simm.s32 @!p1 $0x1082;
	[sflag:s4] =	ssyncset.s32 $0xFFFFF086  }
0x25: {  	[simem:s6], [sflag:s4] =	dma.local [hbm:s3], $0xF7A  }
0x26: {  	[smem:$0x3F9C] =	sst s1;
	(tag) =	ssettag s2;
	_ =	strace s9  }
0x27: {  	s1 =	sld [smem:$0x3FAC]  }
0x28: {  	s2 =	sld [smem:$0x3FAD]  }
0x29: {  	s4 =	sld [smem:$0x3FAF]  }
0x2a: {  	p0 =	seq.s32 s5, $0x0;
	s5 =	sld [smem:$0x3FB0]  }
0x2b: {  	s6 =	sld [smem:$0x3FB1]  }
0x2c: {  	s7 =	sld [smem:$0x3FB2]  }
0x2d: {  	s3 =	simm.s32 $0x108;
	s8 =	sld [smem:$0x3FB3]  }
0x2e: {  	s3 =	simm.s32 @!p0 $0x1082;
	s9 =	sld [smem:$0x3FB4]  }
0x2f: {  	lr =	sadd.s32 s0, s3;
	s0 =	sld [smem:$0x3FAB]  }
0x30: {  	s3 =	sld [smem:$0x3FAE]  }
0x31: {  	[smem:$0x3FB7] =	sst s10  }
0x32: {  	s10 =	sld [smem:$0x3FB5];
	_ =	sdelay $0x3  }
0x33: {  	p0 =	seq.s32 s10, $0x1;
	s10 =	sld [smem:$0x3FB7];
	_ =	sdelay $0x3  }
0x34: {  	[smem:$0x3FB7] =	sst s10  }
0x35: {  	s10 =	sld [smem:$0x3FB6];
	_ =	sdelay $0x3  }
0x36: {  	p1 =	seq.s32 s10, $0x1;
	s10 =	sld [smem:$0x3FB7];
	_ =	sdelay $0x3  }
0x37: {  	[smem:$0x3FB7] =	sst s10  }
0x38: {  	s10 =	sld [smem:$0x3FB8]  }
0x39: {  	_ = 	snop;
	(pc) =	sbr.ind lr, $3  }
0x3a: {  	_ = 	snop  }
0x3b: {  	_ = 	snop  }
0x3c: {  	p2 =	seq.s32 s10, $0x1;
	s10 =	sld [smem:$0x3FB7]  }
0x3d: {  	_ =	shalt  }
0x3e: {  	_ =	shalt  }
0x3f: {  	_ =	shalt  }
0x40: {  	_ =	shalt  }
0x41: {  	_ =	shalt  }
0x42: {  	_ =	shalt  }
0x43: {  	_ =	shalt  }
0x44: {  	_ =	shalt  }
0x45: {  	_ =	shalt  }
0x46: {  	_ =	shalt  }
0x47: {  	_ =	shalt  }
0x48: {  	_ =	shalt  }
0x49: {  	_ =	shalt  }
0x4a: {  	_ =	shalt  }
0x4b: {  	_ =	shalt  }
0x4c: {  	_ =	shalt  }
0x4d: {  	_ =	shalt  }
0x4e: {  	_ =	shalt  }
0x4f: {  	_ =	shalt  }
0x50: {  	_ =	shalt  }
0x51: {  	_ =	shalt  }
0x52: {  	_ =	shalt  }
0x53: {  	_ =	shalt  }
0x54: {  	_ =	shalt  }
0x55: {  	_ =	shalt  }
0x56: {  	_ =	shalt  }
0x57: {  	_ =	shalt  }
0x58: {  	_ =	shalt  }
0x59: {  	_ =	shalt  }
0x5a: {  	_ =	shalt  }
0x5b: {  	_ =	shalt  }
0x5c: {  	_ =	shalt  }
0x5d: {  	_ =	shalt  }
0x5e: {  	_ =	shalt  }
0x5f: {  	_ =	shalt  }
0x60: {  	_ =	shalt  }
0x61: {  	_ =	shalt  }
0x62: {  	_ =	shalt  }
0x63: {  	_ =	shalt  }
0x64: {  	_ =	shalt  }
0x65: {  	_ =	shalt  }
0x66: {  	_ =	shalt  }
0x67: {  	_ =	shalt  }
0x68: {  	_ =	shalt  }
0x69: {  	_ =	shalt  }
0x6a: {  	_ =	shalt  }
0x6b: {  	_ =	shalt  }
0x6c: {  	_ =	shalt  }
0x6d: {  	_ =	shalt  }
0x6e: {  	_ =	shalt  }
0x6f: {  	_ =	shalt  }
0x70: {  	_ =	shalt  }
0x71: {  	_ =	shalt  }
0x72: {  	_ =	shalt  }
0x73: {  	_ =	shalt  }
0x74: {  	_ =	shalt  }
0x75: {  	_ =	shalt  }
0x76: {  	_ =	shalt  }
0x77: {  	_ =	shalt  }
0x78: {  	_ =	shalt  }
0x79: {  	_ =	shalt  }
0x7a: {  	_ =	shalt  }
0x7b: {  	_ =	shalt  }
0x7c: {  	_ =	shalt  }
0x7d: {  	_ =	shalt  }
0x7e: {  	_ =	shalt  }
0x7f: {  	_ =	shalt  }
0x80: {  	_ =	shalt  }
0x81: {  	_ =	shalt  }
0x82: {  	_ =	shalt  }
0x83: {  	_ =	shalt  }
0x84: {  	_ =	shalt  }
0x85: {  	_ =	shalt  }
0x86: {  	_ =	shalt  }
0x87: {  	_ =	shalt  }
.Lfunc_end0:
.L_simem_size_0:
called_computation_lowered:
.L_overlay_start_0:
0x88: {  	s2 =	sld [smem:$0x3FD9]  }
0x89: {  	s3 =	sld [smem:$0x3FFE];
	_ =	sdelay $0x1  }
0x8a: {  	s1 =	srdreg.scid  }
0x8b: {  	s0 =	sand.u32 $0x1, s1  }
0x8c: {  	s14 =	sshll.u32 s0, $0xA;
	s2 =	sadd.s32 s3, s2  }
0x8d: {  	s2 =	sadd.s32 s2, s14  }
0x8e: {  	[smem:$0x3FC3] =	sst s2  }
0x8f: {  	_ = 	snop  }
0x90: {  	s2 =	sld [smem:$0x3FD0];
	_ =	sdelay $0x2  }
0x91: {  	s4 =	simm.s32 $0xA;
	s5 =	simm.s32 $0x10;
	s15 =	sld [smem:$0x3FC9]  }
0x92: {  	[smem:s5], [sflag:s4] =	dma.local [hbm:s2], $0x1  }
0x93: {  	_ =	swait.eq [sflag:s4], $0x1  }
0x94: {  	[sflag:s4] =	ssyncset.done $0x0  }
0x95: {  	[sflag:s4] =	ssyncadd.s32 $0xFFFFFFFF  }
0x96: {  	s16 =	sld [smem:$0x11];
	(tm) =	ssettm $0x1  }
0x97: {  	s17 =	sld [smem:$0x3FFB];
	_ =	sdelay $0x3  }
0x98: {  	_ =	strace s17  }
0x99: {  	s4 =	sld [smem:$0x3FFC];
	_ =	sdelay $0x3  }
0x9a: {  	_ =	strace s4  }
0x9b: {  	s4 =	sld [smem:$0x3FFD];
	_ =	sdelay $0x3  }
0x9c: {  	_ =	strace s4  }
0x9d: {  	_ =	strace $0x8FFFFFFF  }
0x9e: {  	s18 =	sld [smem:$0x3FDB];
	_ =	sdelay $0x1  }
0x9f: {  	s19 =	simm.s32 $_scs_section_size  }
0xa0: {  	s6 =	simm.s32 $_size__tile_overlayer_lowered;
	s7 =	simm.s32 $_tile_overlayer_lowered  }
0xa1: {  	s22 =	simm.s32 $0x1BFF;
	s21 =	sshll.u32 s7, $0x1;
	s4 =	sadd.s32 s19, s18  }
0xa2: {  	s8 =	simm.s32 $0x0;
	s20 =	sshll.u32 s6, $0x1;
	s6 =	sadd.s32 s21, s4  }
0xa3: {  	[timem:s8], [sflag:s22] =	dma.local [hbm:s6], s20  }
0xa4: {  	_ =	swait.ge [sflag:s22], s20  }
0xa5: {  	s5 =	ssub.s32 $0x0, s20;
	[sflag:s22] =	ssyncset.done $0x0  }
0xa6: {  	[sflag:s22] =	ssyncadd.s32 s5;
	_ =	sdelay $0x1  }
0xa7: {  	s23 =	simm.s32 $0x1B8B  }
0xa8: {  	_ =	swait.ge [sflag:s23], $0x1  }
0xa9: {  	[sflag:s23] =	ssyncset.done $0x0  }
0xaa: {  	s25 =	simm.s32 $0x1B8E;
	s24 =	sld [smem:$0x3FFE];
	[sflag:s23] =	ssyncadd.s32 $0xFFFFFFFF  }
0xab: {  	s26 =	simm.s32 $execute0_lowered;
	[smem:$0x3FD2] =	sst s25  }
0xac: {  	s6 =	sshll.u32 s26, $0x1;
	_ =	strace $0x80000046;
	[dreg:$0x1] =	wrdreg $0xFFFFFFFF  }
0xad: {  	s28 =	simm.s32 $_size_execute0_lowered;
	s4 =	sadd.s32 s4, s6;
	[dreg:$0x0] =	wrdreg $0x0  }
0xae: {  	s6 =	sshll.u32 s28, $0x1;
	[dreg:$0x2] =	wrdreg s4  }
0xaf: {  	[dreg:$0x3] =	wrdreg s6  }
0xb0: {  	[dreg:$0x4] =	wrdreg $0xC0  }
0xb1: {  	_ =	task [dreg:s8], $0x5FFFF  }
0xb2: {  	[dreg:$0x1] =	wrdreg $0xFFFFFFFF  }
0xb3: {  	[dreg:$0x0] =	wrdreg $0x60  }
0xb4: {  	[dreg:$0x2] =	wrdreg s15  }
0xb5: {  	[dreg:$0x3] =	wrdreg s24  }
0xb6: {  	[dreg:$0x4] =	wrdreg s16  }
0xb7: {  	[dreg:$0x5] =	wrdreg $0x9  }
0xb8: {  	_ =	task.clear_ibuf [dreg:s8], $0x6FFFF;
	_ =	strace $0x90000046  }
0xb9: {  	s29 =	simm.s32 $0x9;
	_ =	strace $0x80000048  }
0xba: {  	_ =	swait.ge [sflag:s29], $0x1  }
0xbb: {  	[sflag:s29] =	ssyncadd.s32 $0xFFFFFFFF  }
0xbc: {  	_ =	strace $0x90000048  }
0xbd: {  	_ =	sfence  }
0xbe: {  	s30 =	sld [smem:$0x0];
	_ =	sdelay $0x2  }
0xbf: {  	s31 =	sshll.u32 s1, $0xD;
	s1 =	sshrl.u32 s1, $0x2  }
0xc0: {  	s3 =	sand.u32 $0x4000, s31;
	s1 =	sadd.s32 s1, s30  }
0xc1: {  	s0 =	sor.u32 s3, s0;
	s1 =	sshll.u32 s1, $0x11  }
0xc2: {  	s0 =	sor.u32 s1, s0  }
0xc3: {  	s0 =	sadd.s32 $0x8F2B, s0  }
0xc4: {  	[sflag:s0] =	ssyncadd.remote.s32 $0x1  }
0xc5: {  	_ =	sfence.sel $0xFFFF  }
0xc6: {  	[dreg:$0x0] =	wrdreg $0xFFFFFFFF;
	(pc) =	sbr.abs _section_cstart, $3  }
0xc7: {  	[dreg:$0x1] =	wrdreg $0xFFFFFFFF  }
0xc8: {  	_ =	task.clear_ibuf [dreg:s8], $0x2FFFF;
	_ =	strace $0x9FFFFFFF  }
0xc9: {  	(tm) =	ssettm $0x7FFFFFFF  }
tec
execute0_lowered:
.L_overlay_start_1:
0x0: {  	(tag) =	ssettag $0x1  }
0x1: {  	s1 =	rddreg [dreg:$0x0]  }
0x2: {  	s7 =	rddreg [dreg:$0x1];
	s0 =	srdreg.scid  }
0x3: {  	s3 =	stileid.u32;
	s2 =	rddreg [dreg:$0x2];
	s4 =	simm.s32 $0x0  }
0x4: {  	s24 =	simm.s32 $0xC200;
	s25 =	simm.s32 $0xC8;
	s26 =	simm.s32 $0xC0  }
0x5: {  	s13 =	simm.s32 $0xA00;
	s14 =	simm.s32 $0x1200;
	s15 =	simm.s32 $0x1A00  }
0x6: {  	s16 =	simm.s32 $0x2200;
	s28 =	simm.s32 $0x7A00;
	s29 =	simm.s32 $0x8200  }
0x7: {  	s30 =	simm.s32 $0x8A00;
	s31 =	simm.s32 $0x9200;
	s12 =	simm.s32 $0xAA00  }
0x8: {  	s0 =	sand.u32 $0x1, s0;
	s3 =	sshll.u32 s3, $0x1;
	[smem:$0x7FF] =	sst s4  }
0x9: {  	s6 =	sadd.s32 $0xC3600, s7;
	_ =	strace $0x80000047;
	[dreg:$0xa] =	wrdreg s24  }
0xa: {  	s7 =	sadd.s32 $0x125600, s7;
	s3 =	sor.u32 s0, s3;
	[dreg:$0xb] =	wrdreg s25  }
0xb: {  	s0 =	ssub.s32 $0x2, s0;
	[dreg:$0xc] =	wrdreg s26;
	s5 =	smul.u32 $0x188, s3  }
0xc: {  	s24 =	simm.s32 $0x6200;
	s25 =	simm.s32 $0x6A00;
	s10 =	smul.u32 $0x3100, s3  }
0xd: {  	s26 =	simm.s32 $0x7200;
	s3 =	smul.u32 $0x1880, s3;
	s22 =	sshrl.u32 s0, $0x1  }
0xe: {  	s0 =	ssub.s32 s0, s22;
	s22 =	simm.s32 $0x5200;
	s8 =	sshrl.u32 s5, $0x3  }
0xf: {  	s5 =	sadd.s32 $0xC8, s5;
	s17 =	sadd.s32 s6, s10;
	s18 =	sadd.s32 s7, s3  }
0x10: {  	s3 =	simm.s32 $0x1;
	s8 =	sadd.s32 s2, s8;
	[dreg:$0x6] =	wrdreg s17  }
0x11: {  	s9 =	sshrl.u32 s5, $0x3;
	s19 =	sshll.u32 s5, $0x5;
	[dreg:$0x7] =	wrdreg s18  }
0x12: {  	s21 =	sshll.u32 s5, $0x4;
	s5 =	smax.u32 s0, $0x1;
	s17 =	simm.s32 $0x2A00  }
0x13: {  	s18 =	simm.s32 $0x3200;
	[dreg:$0x4] =	wrdreg s8;
	s2 =	sadd.s32 s2, s9  }
0x14: {  	s20 =	sadd.s32 s6, s19;
	s23 =	sadd.s32 s7, s21;
	s6 =	simm.s32 $0x3  }
0x15: {  	v2 =	vlaneseq.u32;
	s7 =	simm.s32 $0x2;
	s19 =	simm.s32 $0x3A00;
	[dreg:$0x5] =	wrdreg s2  }
0x16: {  	vm0 =	vmmov $0xffff;
	v1 =	vshrl.u32 v2, $0x3;
	s21 =	simm.s32 $0x4A00;
	s8 =	simm.s32 $0xA200;
	[dreg:$0x8] =	wrdreg s20  }
0x17: {  	v0 =	vand.u32 $0x7, v2;
	v2 =	vor.u32 $0x8, v2;
	v1 =	vmul.u32 $0x8, v1;
	[dreg:$0x9] =	wrdreg s23;
	s20 =	simm.s32 $0x4200;
	s23 =	simm.s32 $0x5A00  }
.LBB2_1:
0x18: {  	s9 =	rddreg [dreg:$0x4]  }
0x19: {  	[tilespmem:s4], [sflag:$0x3] =	stream.linear.gather [hbm4b:s9+s4], $0xC8, $0x38;
	[tilespmem:$0x12E00] =	vst v63  }
0x1a: {  	_ =	swait.ge [sflag:s6], $0xC8  }
0x1b: {  	[sflag:s6] =	ssyncset.done $0x0  }
0x1c: {  	s0 =	simm.s32 $0x100;
	s2 =	rddreg [dreg:$0x5];
	[sflag:s6] =	ssyncadd.s32 $0xFFFFFF38  }
0x1d: {  	[tilespmem:s0], [sflag:$0x3] =	stream.linear.gather [hbm4b:s2+s4], $0xC0, $0x38;
	[tilespmem:$0x12E00] =	vst v63  }
0x1e: {  	_ =	swait.ge [sflag:s6], $0xC0  }
0x1f: {  	[sflag:s6] =	ssyncset.done $0x0  }
0x20: {  	[sflag:s6] =	ssyncadd.s32 $0xFFFFFF40  }
0x21: {  	v3 =	vld [tilespmem:$0x0];
	_ =	sdelay $0x4  }
0x22: {  	v4 =	vshll.u32 v3, $0x1  }
0x23: {  	v3 =	vand.u32 $0x7, v3;
	v4 =	vand.u32 $0xFFFFFFF0, v4  }
0x24: {  	v3 =	vor.u32 v3, v4  }
0x25: {  	v4 =	vperm.xlane v3, v0;
	_ =	sdelay $0x1  }
0x26: {  	v3 =	vperm.xlane v3, v2;
	v4 =	vadd.s32 v1, v4;
	_ =	sdelay $0x1  }
0x27: {  	v3 =	vadd.s32 v1, v3;
	_ =	sdelay $0x1  }
0x28: {  	s9 =	simm.s32 $0x200  }
0x29: {  	[tilespmem:s9], [sflag:$0x1] =	stream.indirect_vreg.gather [hbm4b:s1+s4], $0x80, v4, vm0, $0xb8;
	[tilespmem:$0x12E00] =	vst v63  }
0x2a: {  	_ = 	snop  }
0x2b: {  	[tilespmem:s13], [sflag:$0x1] =	stream.indirect_vreg.gather [hbm4b:s1+s4], $0x80, v3, vm0, $0xb8;
	[tilespmem:$0x12E00] =	vst v63  }
0x2c: {  	v3 =	vld [tilespmem:$0x10];
	_ =	sdelay $0x4  }
0x2d: {  	v40 =	vshll.u32 v3, $0x1  }
0x2e: {  	v3 =	vand.u32 $0x7, v3;
	v4 =	vand.u32 $0xFFFFFFF0, v40  }
0x2f: {  	v3 =	vor.u32 v3, v4  }
0x30: {  	v4 =	vperm.xlane v3, v0;
	_ =	sdelay $0x1  }
0x31: {  	v3 =	vperm.xlane v3, v2;
	v4 =	vadd.s32 v1, v4;
	_ =	sdelay $0x1  }
0x32: {  	v3 =	vadd.s32 v1, v3;
	_ =	sdelay $0x2  }
0x33: {  	[tilespmem:s14], [sflag:$0x1] =	stream.indirect_vreg.gather [hbm4b:s1+s4], $0x80, v4, vm0, $0xb8;
	[tilespmem:$0x12E00] =	vst v63  }
0x34: {  	_ = 	snop  }
0x35: {  	[tilespmem:s15], [sflag:$0x1] =	stream.indirect_vreg.gather [hbm4b:s1+s4], $0x80, v3, vm0, $0xb8;
	[tilespmem:$0x12E00] =	vst v63  }
0x36: {  	v3 =	vld [tilespmem:$0x20];
	_ =	sdelay $0x4  }
0x37: {  	v41 =	vshll.u32 v3, $0x1  }
0x38: {  	v3 =	vand.u32 $0x7, v3;
	v4 =	vand.u32 $0xFFFFFFF0, v41  }
0x39: {  	v3 =	vor.u32 v3, v4  }
0x3a: {  	v4 =	vperm.xlane v3, v0;
	_ =	sdelay $0x1  }
0x3b: {  	v3 =	vperm.xlane v3, v2;
	v4 =	vadd.s32 v1, v4;
	_ =	sdelay $0x1  }
0x3c: {  	v3 =	vadd.s32 v1, v3;
	_ =	sdelay $0x2  }
0x3d: {  	[tilespmem:s16], [sflag:$0x1] =	stream.indirect_vreg.gather [hbm4b:s1+s4], $0x80, v4, vm0, $0xb8;
	[tilespmem:$0x12E00] =	vst v63  }
0x3e: {  	_ = 	snop  }
0x3f: {  	[tilespmem:s17], [sflag:$0x1] =	stream.indirect_vreg.gather [hbm4b:s1+s4], $0x80, v3, vm0, $0xb8;
	[tilespmem:$0x12E00] =	vst v63  }
0x40: {  	v3 =	vld [tilespmem:$0x30];
	_ =	sdelay $0x4  }
0x41: {  	v42 =	vshll.u32 v3, $0x1  }
0x42: {  	v3 =	vand.u32 $0x7, v3;
	v4 =	vand.u32 $0xFFFFFFF0, v42  }
0x43: {  	v3 =	vor.u32 v3, v4  }
0x44: {  	v4 =	vperm.xlane v3, v0;
	_ =	sdelay $0x1  }
0x45: {  	v3 =	vperm.xlane v3, v2;
	v4 =	vadd.s32 v1, v4;
	_ =	sdelay $0x1  }
0x46: {  	v3 =	vadd.s32 v1, v3;
	_ =	sdelay $0x2  }
0x47: {  	[tilespmem:s18], [sflag:$0x1] =	stream.indirect_vreg.gather [hbm4b:s1+s4], $0x80, v4, vm0, $0xb8;
	[tilespmem:$0x12E00] =	vst v63  }
0x48: {  	_ = 	snop  }
0x49: {  	[tilespmem:s19], [sflag:$0x1] =	stream.indirect_vreg.gather [hbm4b:s1+s4], $0x80, v3, vm0, $0xb8;
	[tilespmem:$0x12E00] =	vst v63  }
0x4a: {  	v3 =	vld [tilespmem:$0x40];
	_ =	sdelay $0x4  }
0x4b: {  	v43 =	vshll.u32 v3, $0x1  }
0x4c: {  	v3 =	vand.u32 $0x7, v3;
	v4 =	vand.u32 $0xFFFFFFF0, v43  }
0x4d: {  	v3 =	vor.u32 v3, v4  }
0x4e: {  	v4 =	vperm.xlane v3, v0;
	_ =	sdelay $0x1  }
0x4f: {  	v3 =	vperm.xlane v3, v2;
	v4 =	vadd.s32 v1, v4;
	_ =	sdelay $0x1  }
0x50: {  	v3 =	vadd.s32 v1, v3;
	_ =	sdelay $0x2  }
0x51: {  	[tilespmem:s20], [sflag:$0x1] =	stream.indirect_vreg.gather [hbm4b:s1+s4], $0x80, v4, vm0, $0xb8;
	[tilespmem:$0x12E00] =	vst v63  }
0x52: {  	_ = 	snop  }
0x53: {  	[tilespmem:s21], [sflag:$0x1] =	stream.indirect_vreg.gather [hbm4b:s1+s4], $0x80, v3, vm0, $0xb8;
	[tilespmem:$0x12E00] =	vst v63  }
0x54: {  	v3 =	vld [tilespmem:$0x50];
	_ =	sdelay $0x4  }
0x55: {  	v44 =	vshll.u32 v3, $0x1  }
0x56: {  	v3 =	vand.u32 $0x7, v3;
	v4 =	vand.u32 $0xFFFFFFF0, v44  }
0x57: {  	v3 =	vor.u32 v3, v4  }
0x58: {  	v4 =	vperm.xlane v3, v0;
	_ =	sdelay $0x1  }
0x59: {  	v3 =	vperm.xlane v3, v2;
	v4 =	vadd.s32 v1, v4;
	_ =	sdelay $0x1  }
0x5a: {  	v3 =	vadd.s32 v1, v3;
	_ =	sdelay $0x2  }
0x5b: {  	[tilespmem:s22], [sflag:$0x1] =	stream.indirect_vreg.gather [hbm4b:s1+s4], $0x80, v4, vm0, $0xb8;
	[tilespmem:$0x12E00] =	vst v63  }
0x5c: {  	_ = 	snop  }
0x5d: {  	[tilespmem:s23], [sflag:$0x1] =	stream.indirect_vreg.gather [hbm4b:s1+s4], $0x80, v3, vm0, $0xb8;
	[tilespmem:$0x12E00] =	vst v63  }
0x5e: {  	v3 =	vld [tilespmem:$0x60];
	_ =	sdelay $0x4  }
0x5f: {  	v45 =	vshll.u32 v3, $0x1  }
0x60: {  	v3 =	vand.u32 $0x7, v3;
	v4 =	vand.u32 $0xFFFFFFF0, v45  }
0x61: {  	v3 =	vor.u32 v3, v4  }
0x62: {  	v4 =	vperm.xlane v3, v0;
	_ =	sdelay $0x1  }
0x63: {  	v3 =	vperm.xlane v3, v2;
	v4 =	vadd.s32 v1, v4;
	_ =	sdelay $0x1  }
0x64: {  	v3 =	vadd.s32 v1, v3;
	_ =	sdelay $0x2  }
0x65: {  	[tilespmem:s24], [sflag:$0x1] =	stream.indirect_vreg.gather [hbm4b:s1+s4], $0x80, v4, vm0, $0xb8;
	[tilespmem:$0x12E00] =	vst v63  }
0x66: {  	_ = 	snop  }
0x67: {  	[tilespmem:s25], [sflag:$0x1] =	stream.indirect_vreg.gather [hbm4b:s1+s4], $0x80, v3, vm0, $0xb8;
	[tilespmem:$0x12E00] =	vst v63  }
0x68: {  	v3 =	vld [tilespmem:$0x70];
	_ =	sdelay $0x4  }
0x69: {  	v46 =	vshll.u32 v3, $0x1  }
0x6a: {  	v3 =	vand.u32 $0x7, v3;
	v4 =	vand.u32 $0xFFFFFFF0, v46  }
0x6b: {  	v3 =	vor.u32 v3, v4  }
0x6c: {  	v4 =	vperm.xlane v3, v0;
	_ =	sdelay $0x1  }
0x6d: {  	v3 =	vperm.xlane v3, v2;
	v4 =	vadd.s32 v1, v4;
	_ =	sdelay $0x1  }
0x6e: {  	v3 =	vadd.s32 v1, v3;
	_ =	sdelay $0x2  }
0x6f: {  	[tilespmem:s26], [sflag:$0x1] =	stream.indirect_vreg.gather [hbm4b:s1+s4], $0x80, v4, vm0, $0xb8;
	[tilespmem:$0x12E00] =	vst v63  }
0x70: {  	_ = 	snop  }
0x71: {  	[tilespmem:s28], [sflag:$0x1] =	stream.indirect_vreg.gather [hbm4b:s1+s4], $0x80, v3, vm0, $0xb8;
	[tilespmem:$0x12E00] =	vst v63  }
0x72: {  	v3 =	vld [tilespmem:$0x80];
	_ =	sdelay $0x4  }
0x73: {  	v47 =	vshll.u32 v3, $0x1  }
0x74: {  	v3 =	vand.u32 $0x7, v3;
	v4 =	vand.u32 $0xFFFFFFF0, v47  }
0x75: {  	v3 =	vor.u32 v3, v4  }
0x76: {  	v4 =	vperm.xlane v3, v0;
	_ =	sdelay $0x1  }
0x77: {  	v3 =	vperm.xlane v3, v2;
	v4 =	vadd.s32 v1, v4;
	_ =	sdelay $0x1  }
0x78: {  	v3 =	vadd.s32 v1, v3;
	_ =	sdelay $0x2  }
0x79: {  	[tilespmem:s29], [sflag:$0x1] =	stream.indirect_vreg.gather [hbm4b:s1+s4], $0x80, v4, vm0, $0xb8;
	[tilespmem:$0x12E00] =	vst v63  }
0x7a: {  	_ = 	snop  }
0x7b: {  	[tilespmem:s30], [sflag:$0x1] =	stream.indirect_vreg.gather [hbm4b:s1+s4], $0x80, v3, vm0, $0xb8;
	[tilespmem:$0x12E00] =	vst v63  }
0x7c: {  	v3 =	vld [tilespmem:$0x90];
	_ =	sdelay $0x4  }
0x7d: {  	v48 =	vshll.u32 v3, $0x1  }
0x7e: {  	v3 =	vand.u32 $0x7, v3;
	v4 =	vand.u32 $0xFFFFFFF0, v48  }
0x7f: {  	v3 =	vor.u32 v3, v4  }
0x80: {  	v4 =	vperm.xlane v3, v0;
	_ =	sdelay $0x1  }
0x81: {  	v3 =	vperm.xlane v3, v2;
	v4 =	vadd.s32 v1, v4;
	_ =	sdelay $0x1  }
0x82: {  	v3 =	vadd.s32 v1, v3;
	_ =	sdelay $0x2  }
0x83: {  	[tilespmem:s31], [sflag:$0x1] =	stream.indirect_vreg.gather [hbm4b:s1+s4], $0x80, v4, vm0, $0xb8;
	[tilespmem:$0x12E00] =	vst v63  }
0x84: {  	s2 =	simm.s32 $0x9A00  }
0x85: {  	[tilespmem:s2], [sflag:$0x1] =	stream.indirect_vreg.gather [hbm4b:s1+s4], $0x80, v3, vm0, $0xb8;
	[tilespmem:$0x12E00] =	vst v63  }
0x86: {  	v3 =	vld [tilespmem:$0xA0];
	_ =	sdelay $0x4  }
0x87: {  	v49 =	vshll.u32 v3, $0x1  }
0x88: {  	v3 =	vand.u32 $0x7, v3;
	v4 =	vand.u32 $0xFFFFFFF0, v49  }
0x89: {  	v3 =	vor.u32 v3, v4  }
0x8a: {  	v4 =	vperm.xlane v3, v0;
	_ =	sdelay $0x1  }
0x8b: {  	v3 =	vperm.xlane v3, v2;
	v4 =	vadd.s32 v1, v4;
	_ =	sdelay $0x1  }
0x8c: {  	v3 =	vadd.s32 v1, v3;
	_ =	sdelay $0x2  }
0x8d: {  	[tilespmem:s8], [sflag:$0x1] =	stream.indirect_vreg.gather [hbm4b:s1+s4], $0x80, v4, vm0, $0xb8;
	[tilespmem:$0x12E00] =	vst v63  }
0x8e: {  	_ = 	snop  }
0x8f: {  	[tilespmem:s12], [sflag:$0x1] =	stream.indirect_vreg.gather [hbm4b:s1+s4], $0x80, v3, vm0, $0xb8;
	[tilespmem:$0x12E00] =	vst v63  }
0x90: {  	v3 =	vld [tilespmem:$0xB0];
	_ =	sdelay $0x4  }
0x91: {  	v50 =	vshll.u32 v3, $0x1  }
0x92: {  	v3 =	vand.u32 $0x7, v3;
	v4 =	vand.u32 $0xFFFFFFF0, v50  }
0x93: {  	v3 =	vor.u32 v3, v4  }
0x94: {  	v4 =	vperm.xlane v3, v0;
	_ =	sdelay $0x1  }
0x95: {  	v3 =	vperm.xlane v3, v2;
	v4 =	vadd.s32 v1, v4;
	_ =	sdelay $0x1  }
0x96: {  	v3 =	vadd.s32 v1, v3;
	_ =	sdelay $0x1  }
0x97: {  	s10 =	simm.s32 $0xB200  }
0x98: {  	[tilespmem:s10], [sflag:$0x1] =	stream.indirect_vreg.gather [hbm4b:s1+s4], $0x80, v4, vm0, $0xb8;
	[tilespmem:$0x12E00] =	vst v63  }
0x99: {  	s11 =	simm.s32 $0xBA00  }
0x9a: {  	[tilespmem:s11], [sflag:$0x1] =	stream.indirect_vreg.gather [hbm4b:s1+s4], $0x80, v3, vm0, $0xb8;
	[tilespmem:$0x12E00] =	vst v63  }
0x9b: {  	v3 =	vld.msk [tilespmem:$0xC0], $0xff;
	_ =	sdelay $0x4  }
0x9c: {  	v51 =	vshll.u32 v3, $0x1  }
0x9d: {  	v3 =	vand.u32 $0x7, v3;
	v4 =	vand.u32 $0xFFFFFFF0, v51  }
0x9e: {  	v3 =	vor.u32 v3, v4  }
0x9f: {  	v3 =	vperm.xlane v3, v0;
	_ =	sdelay $0x1  }
0xa0: {  	v3 =	vadd.s32 v1, v3;
	_ =	sdelay $0x2  }
0xa1: {  	s0 =	rddreg [dreg:$0xa]  }
0xa2: {  	s10 =	rddreg [dreg:$0xb]  }
0xa3: {  	[tilespmem:s0], [sflag:$0x1] =	stream.indirect_vreg.gather [hbm4b:s1+s4], $0x80, v3, vm0, $0xb8;
	[tilespmem:$0x12E00] =	vst v63  }
0xa4: {  	s11 =	rddreg [dreg:$0x1];
	s0 =	simm.s32 $0xCA00  }
0xa5: {  	[tilespmem:s0], [sflag:$0x2] =	stream.indirect.gather [hbm4b:s11+s10], $0x80, s4, s10, $0xb8;
	[tilespmem:$0x12E00] =	vst v63  }
0xa6: {  	_ =	swait.ge [sflag:s3], $0xC800  }
0xa7: {  	[sflag:s3] =	ssyncset.done $0x0  }
0xa8: {  	[sflag:s3] =	ssyncadd.s32 $0xFFFF3800  }
0xa9: {  	_ =	swait.ge [sflag:s7], $0x6400  }
0xaa: {  	[sflag:s7] =	ssyncset.done $0x0  }
0xab: {  	s10 =	simm.s32 $0x200;
	s9 =	rddreg [dreg:$0x6];
	[sflag:s7] =	ssyncadd.s32 $0xFFFF9C00  }
0xac: {  	[hbm4b:s9+s4] =	stream.linear.scatter [tilespmem:s10], [sflag:$0x3], $0xC800, $0x38;
	[tilespmem:$0x12E00] =	vst v63  }
0xad: {  	_ =	swait.ge [sflag:s6], $0xC800  }
0xae: {  	[sflag:s6] =	ssyncset.done $0x0  }
0xaf: {  	s9 =	rddreg [dreg:$0x7];
	[sflag:s6] =	ssyncadd.s32 $0xFFFF3800  }
0xb0: {  	[hbm4b:s9+s4] =	stream.linear.scatter [tilespmem:s0], [sflag:$0x3], $0x6400, $0x38;
	[tilespmem:$0x12E00] =	vst v63  }
0xb1: {  	_ =	swait.ge [sflag:s6], $0x6400  }
0xb2: {  	[sflag:s6] =	ssyncset.done $0x0  }
0xb3: {  	[sflag:s6] =	ssyncadd.s32 $0xFFFF9C00  }
0xb4: {  	v3 =	vld [tilespmem:$0x100];
	_ =	sdelay $0x4  }
0xb5: {  	v52 =	vshll.u32 v3, $0x1  }
0xb6: {  	v3 =	vand.u32 $0x7, v3;
	v4 =	vand.u32 $0xFFFFFFF0, v52  }
0xb7: {  	v3 =	vor.u32 v3, v4  }
0xb8: {  	v4 =	vperm.xlane v3, v0;
	_ =	sdelay $0x1  }
0xb9: {  	v3 =	vperm.xlane v3, v2;
	v4 =	vadd.s32 v1, v4;
	_ =	sdelay $0x1  }
0xba: {  	v3 =	vadd.s32 v1, v3;
	_ =	sdelay $0x2  }
0xbb: {  	[tilespmem:s10], [sflag:$0x1] =	stream.indirect_vreg.gather [hbm4b:s1+s4], $0x80, v4, vm0, $0xb8;
	[tilespmem:$0x12E00] =	vst v63  }
0xbc: {  	_ = 	snop  }
0xbd: {  	[tilespmem:s13], [sflag:$0x1] =	stream.indirect_vreg.gather [hbm4b:s1+s4], $0x80, v3, vm0, $0xb8;
	[tilespmem:$0x12E00] =	vst v63  }
0xbe: {  	v3 =	vld [tilespmem:$0x110];
	_ =	sdelay $0x4  }
0xbf: {  	v53 =	vshll.u32 v3, $0x1  }
0xc0: {  	v3 =	vand.u32 $0x7, v3;
	v4 =	vand.u32 $0xFFFFFFF0, v53  }
0xc1: {  	v3 =	vor.u32 v3, v4  }
0xc2: {  	v4 =	vperm.xlane v3, v0;
	_ =	sdelay $0x1  }
0xc3: {  	v3 =	vperm.xlane v3, v2;
	v4 =	vadd.s32 v1, v4;
	_ =	sdelay $0x1  }
0xc4: {  	v3 =	vadd.s32 v1, v3;
	_ =	sdelay $0x2  }
0xc5: {  	[tilespmem:s14], [sflag:$0x1] =	stream.indirect_vreg.gather [hbm4b:s1+s4], $0x80, v4, vm0, $0xb8;
	[tilespmem:$0x12E00] =	vst v63  }
0xc6: {  	_ = 	snop  }
0xc7: {  	[tilespmem:s15], [sflag:$0x1] =	stream.indirect_vreg.gather [hbm4b:s1+s4], $0x80, v3, vm0, $0xb8;
	[tilespmem:$0x12E00] =	vst v63  }
0xc8: {  	v3 =	vld [tilespmem:$0x120];
	_ =	sdelay $0x4  }
0xc9: {  	v54 =	vshll.u32 v3, $0x1  }
0xca: {  	v3 =	vand.u32 $0x7, v3;
	v4 =	vand.u32 $0xFFFFFFF0, v54  }
0xcb: {  	v3 =	vor.u32 v3, v4  }
0xcc: {  	v4 =	vperm.xlane v3, v0;
	_ =	sdelay $0x1  }
0xcd: {  	v3 =	vperm.xlane v3, v2;
	v4 =	vadd.s32 v1, v4;
	_ =	sdelay $0x1  }
0xce: {  	v3 =	vadd.s32 v1, v3;
	_ =	sdelay $0x2  }
0xcf: {  	[tilespmem:s16], [sflag:$0x1] =	stream.indirect_vreg.gather [hbm4b:s1+s4], $0x80, v4, vm0, $0xb8;
	[tilespmem:$0x12E00] =	vst v63  }
0xd0: {  	_ = 	snop  }
0xd1: {  	[tilespmem:s17], [sflag:$0x1] =	stream.indirect_vreg.gather [hbm4b:s1+s4], $0x80, v3, vm0, $0xb8;
	[tilespmem:$0x12E00] =	vst v63  }
0xd2: {  	v3 =	vld [tilespmem:$0x130];
	_ =	sdelay $0x4  }
0xd3: {  	v55 =	vshll.u32 v3, $0x1  }
0xd4: {  	v3 =	vand.u32 $0x7, v3;
	v4 =	vand.u32 $0xFFFFFFF0, v55  }
0xd5: {  	v3 =	vor.u32 v3, v4  }
0xd6: {  	v4 =	vperm.xlane v3, v0;
	_ =	sdelay $0x1  }
0xd7: {  	v3 =	vperm.xlane v3, v2;
	v4 =	vadd.s32 v1, v4;
	_ =	sdelay $0x1  }
0xd8: {  	v3 =	vadd.s32 v1, v3;
	_ =	sdelay $0x2  }
0xd9: {  	[tilespmem:s18], [sflag:$0x1] =	stream.indirect_vreg.gather [hbm4b:s1+s4], $0x80, v4, vm0, $0xb8;
	[tilespmem:$0x12E00] =	vst v63  }
0xda: {  	_ = 	snop  }
0xdb: {  	[tilespmem:s19], [sflag:$0x1] =	stream.indirect_vreg.gather [hbm4b:s1+s4], $0x80, v3, vm0, $0xb8;
	[tilespmem:$0x12E00] =	vst v63  }
0xdc: {  	v3 =	vld [tilespmem:$0x140];
	_ =	sdelay $0x4  }
0xdd: {  	v56 =	vshll.u32 v3, $0x1  }
0xde: {  	v3 =	vand.u32 $0x7, v3;
	v4 =	vand.u32 $0xFFFFFFF0, v56  }
0xdf: {  	v3 =	vor.u32 v3, v4  }
0xe0: {  	v4 =	vperm.xlane v3, v0;
	_ =	sdelay $0x1  }
0xe1: {  	v3 =	vperm.xlane v3, v2;
	v4 =	vadd.s32 v1, v4;
	_ =	sdelay $0x1  }
0xe2: {  	v3 =	vadd.s32 v1, v3;
	_ =	sdelay $0x2  }
0xe3: {  	[tilespmem:s20], [sflag:$0x1] =	stream.indirect_vreg.gather [hbm4b:s1+s4], $0x80, v4, vm0, $0xb8;
	[tilespmem:$0x12E00] =	vst v63  }
0xe4: {  	_ = 	snop  }
0xe5: {  	[tilespmem:s21], [sflag:$0x1] =	stream.indirect_vreg.gather [hbm4b:s1+s4], $0x80, v3, vm0, $0xb8;
	[tilespmem:$0x12E00] =	vst v63  }
0xe6: {  	v3 =	vld [tilespmem:$0x150];
	_ =	sdelay $0x4  }
0xe7: {  	v57 =	vshll.u32 v3, $0x1  }
0xe8: {  	v3 =	vand.u32 $0x7, v3;
	v4 =	vand.u32 $0xFFFFFFF0, v57  }
0xe9: {  	v3 =	vor.u32 v3, v4  }
0xea: {  	v4 =	vperm.xlane v3, v0;
	_ =	sdelay $0x1  }
0xeb: {  	v3 =	vperm.xlane v3, v2;
	v4 =	vadd.s32 v1, v4;
	_ =	sdelay $0x1  }
0xec: {  	v3 =	vadd.s32 v1, v3;
	_ =	sdelay $0x2  }
0xed: {  	[tilespmem:s22], [sflag:$0x1] =	stream.indirect_vreg.gather [hbm4b:s1+s4], $0x80, v4, vm0, $0xb8;
	[tilespmem:$0x12E00] =	vst v63  }
0xee: {  	_ = 	snop  }
0xef: {  	[tilespmem:s23], [sflag:$0x1] =	stream.indirect_vreg.gather [hbm4b:s1+s4], $0x80, v3, vm0, $0xb8;
	[tilespmem:$0x12E00] =	vst v63  }
0xf0: {  	v3 =	vld [tilespmem:$0x160];
	_ =	sdelay $0x4  }
0xf1: {  	v58 =	vshll.u32 v3, $0x1  }
0xf2: {  	v3 =	vand.u32 $0x7, v3;
	v4 =	vand.u32 $0xFFFFFFF0, v58  }
0xf3: {  	v3 =	vor.u32 v3, v4  }
0xf4: {  	v4 =	vperm.xlane v3, v0;
	_ =	sdelay $0x1  }
0xf5: {  	v3 =	vperm.xlane v3, v2;
	v4 =	vadd.s32 v1, v4;
	_ =	sdelay $0x1  }
0xf6: {  	v3 =	vadd.s32 v1, v3;
	_ =	sdelay $0x2  }
0xf7: {  	[tilespmem:s24], [sflag:$0x1] =	stream.indirect_vreg.gather [hbm4b:s1+s4], $0x80, v4, vm0, $0xb8;
	[tilespmem:$0x12E00] =	vst v63  }
0xf8: {  	_ = 	snop  }
0xf9: {  	[tilespmem:s25], [sflag:$0x1] =	stream.indirect_vreg.gather [hbm4b:s1+s4], $0x80, v3, vm0, $0xb8;
	[tilespmem:$0x12E00] =	vst v63  }
0xfa: {  	v3 =	vld [tilespmem:$0x170];
	_ =	sdelay $0x4  }
0xfb: {  	v59 =	vshll.u32 v3, $0x1  }
0xfc: {  	v3 =	vand.u32 $0x7, v3;
	v4 =	vand.u32 $0xFFFFFFF0, v59  }
0xfd: {  	v3 =	vor.u32 v3, v4  }
0xfe: {  	v4 =	vperm.xlane v3, v0;
	_ =	sdelay $0x1  }
0xff: {  	v3 =	vperm.xlane v3, v2;
	v4 =	vadd.s32 v1, v4;
	_ =	sdelay $0x1  }
0x100: {  	v3 =	vadd.s32 v1, v3;
	_ =	sdelay $0x2  }
0x101: {  	[tilespmem:s26], [sflag:$0x1] =	stream.indirect_vreg.gather [hbm4b:s1+s4], $0x80, v4, vm0, $0xb8;
	[tilespmem:$0x12E00] =	vst v63  }
0x102: {  	_ = 	snop  }
0x103: {  	[tilespmem:s28], [sflag:$0x1] =	stream.indirect_vreg.gather [hbm4b:s1+s4], $0x80, v3, vm0, $0xb8;
	[tilespmem:$0x12E00] =	vst v63  }
0x104: {  	v3 =	vld [tilespmem:$0x180];
	_ =	sdelay $0x4  }
0x105: {  	v60 =	vshll.u32 v3, $0x1  }
0x106: {  	v3 =	vand.u32 $0x7, v3;
	v4 =	vand.u32 $0xFFFFFFF0, v60  }
0x107: {  	v3 =	vor.u32 v3, v4  }
0x108: {  	v4 =	vperm.xlane v3, v0;
	_ =	sdelay $0x1  }
0x109: {  	v3 =	vperm.xlane v3, v2;
	v4 =	vadd.s32 v1, v4;
	_ =	sdelay $0x1  }
0x10a: {  	v3 =	vadd.s32 v1, v3;
	_ =	sdelay $0x2  }
0x10b: {  	[tilespmem:s29], [sflag:$0x1] =	stream.indirect_vreg.gather [hbm4b:s1+s4], $0x80, v4, vm0, $0xb8;
	[tilespmem:$0x12E00] =	vst v63  }
0x10c: {  	_ = 	snop  }
0x10d: {  	[tilespmem:s30], [sflag:$0x1] =	stream.indirect_vreg.gather [hbm4b:s1+s4], $0x80, v3, vm0, $0xb8;
	[tilespmem:$0x12E00] =	vst v63  }
0x10e: {  	v3 =	vld [tilespmem:$0x190];
	_ =	sdelay $0x4  }
0x10f: {  	v61 =	vshll.u32 v3, $0x1  }
0x110: {  	v3 =	vand.u32 $0x7, v3;
	v4 =	vand.u32 $0xFFFFFFF0, v61  }
0x111: {  	v3 =	vor.u32 v3, v4  }
0x112: {  	v4 =	vperm.xlane v3, v0;
	_ =	sdelay $0x1  }
0x113: {  	v3 =	vperm.xlane v3, v2;
	v4 =	vadd.s32 v1, v4;
	_ =	sdelay $0x1  }
0x114: {  	v3 =	vadd.s32 v1, v3;
	_ =	sdelay $0x2  }
0x115: {  	[tilespmem:s31], [sflag:$0x1] =	stream.indirect_vreg.gather [hbm4b:s1+s4], $0x80, v4, vm0, $0xb8;
	[tilespmem:$0x12E00] =	vst v63  }
0x116: {  	_ = 	snop  }
0x117: {  	[tilespmem:s2], [sflag:$0x1] =	stream.indirect_vreg.gather [hbm4b:s1+s4], $0x80, v3, vm0, $0xb8;
	[tilespmem:$0x12E00] =	vst v63  }
0x118: {  	v3 =	vld [tilespmem:$0x1A0];
	_ =	sdelay $0x4  }
0x119: {  	v62 =	vshll.u32 v3, $0x1  }
0x11a: {  	v3 =	vand.u32 $0x7, v3;
	v4 =	vand.u32 $0xFFFFFFF0, v62  }
0x11b: {  	v3 =	vor.u32 v3, v4  }
0x11c: {  	v4 =	vperm.xlane v3, v0;
	_ =	sdelay $0x1  }
0x11d: {  	v3 =	vperm.xlane v3, v2;
	v4 =	vadd.s32 v1, v4;
	_ =	sdelay $0x1  }
0x11e: {  	v3 =	vadd.s32 v1, v3;
	_ =	sdelay $0x2  }
0x11f: {  	[tilespmem:s8], [sflag:$0x1] =	stream.indirect_vreg.gather [hbm4b:s1+s4], $0x80, v4, vm0, $0xb8;
	[tilespmem:$0x12E00] =	vst v63  }
0x120: {  	_ = 	snop  }
0x121: {  	[tilespmem:s12], [sflag:$0x1] =	stream.indirect_vreg.gather [hbm4b:s1+s4], $0x80, v3, vm0, $0xb8;
	[tilespmem:$0x12E00] =	vst v63  }
0x122: {  	v3 =	vld [tilespmem:$0x1B0];
	_ =	sdelay $0x4  }
0x123: {  	v63 =	vshll.u32 v3, $0x1  }
0x124: {  	v3 =	vand.u32 $0x7, v3;
	v4 =	vand.u32 $0xFFFFFFF0, v63  }
0x125: {  	v3 =	vor.u32 v3, v4  }
0x126: {  	v4 =	vperm.xlane v3, v0;
	_ =	sdelay $0x1  }
0x127: {  	v3 =	vperm.xlane v3, v2;
	v4 =	vadd.s32 v1, v4;
	_ =	sdelay $0x1  }
0x128: {  	v3 =	vadd.s32 v1, v3;
	_ =	sdelay $0x1  }
0x129: {  	s9 =	simm.s32 $0xB200  }
0x12a: {  	[tilespmem:s9], [sflag:$0x1] =	stream.indirect_vreg.gather [hbm4b:s1+s4], $0x80, v4, vm0, $0xb8;
	[tilespmem:$0x12E00] =	vst v63  }
0x12b: {  	s2 =	simm.s32 $0xBA00  }
0x12c: {  	[tilespmem:s2], [sflag:$0x1] =	stream.indirect_vreg.gather [hbm4b:s1+s4], $0x80, v3, vm0, $0xb8;
	[tilespmem:$0x12E00] =	vst v63  }
0x12d: {  	s9 =	rddreg [dreg:$0xc];
	s2 =	simm.s32 $0x100  }
0x12e: {  	[tilespmem:s0], [sflag:$0x2] =	stream.indirect.gather [hbm4b:s11+s9], $0x80, s2, s9, $0xb8;
	[tilespmem:$0x12E00] =	vst v63  }
0x12f: {  	_ =	swait.ge [sflag:s3], $0xC000  }
0x130: {  	[sflag:s3] =	ssyncset.done $0x0  }
0x131: {  	[sflag:s3] =	ssyncadd.s32 $0xFFFF4000  }
0x132: {  	_ =	swait.ge [sflag:s7], $0x6000  }
0x133: {  	[sflag:s7] =	ssyncset.done $0x0  }
0x134: {  	s10 =	simm.s32 $0x200;
	s2 =	rddreg [dreg:$0x8];
	[sflag:s7] =	ssyncadd.s32 $0xFFFFA000  }
0x135: {  	[hbm4b:s2+s4] =	stream.linear.scatter [tilespmem:s10], [sflag:$0x3], $0xC000, $0x38;
	[tilespmem:$0x12E00] =	vst v63  }
0x136: {  	_ =	swait.ge [sflag:s6], $0xC000  }
0x137: {  	p0 =	sne.s32 s5, $0x1;
	[sflag:s6] =	ssyncset.done $0x0  }
.Ltmp0:
0x138: {  	s11 =	rddreg [dreg:$0x9];
	[sflag:s6] =	ssyncadd.s32 $0xFFFF4000;
	(pc) =	sbr.rel @p0 .LBB2_1-.Ltmp0, $4  }
0x139: {  	[hbm4b:s11+s4] =	stream.linear.scatter [tilespmem:s0], [sflag:$0x3], $0x6000, $0x38;
	[tilespmem:$0x12E00] =	vst v63  }
0x13a: {  	_ =	swait.ge [sflag:s6], $0x6000  }
0x13b: {  	[sflag:s6] =	ssyncset.done $0x0  }
0x13c: {  	s5 =	sadd.s32 $0xFFFFFFFF, s5;
	[sflag:s6] =	ssyncadd.s32 $0xFFFFA000  }
0x13d: {  	_ =	sfence.sel $0x180000  }
0x13e: {  	[bflag:$0x0] =	sbarrier.arrive $0xFFFF  }
0x13f: {  	_ =	strace $0x90000047  }
0x140: {  	s0 =	stileid.u32;
	[bflag:$0x2] =	sbarrier.arrive $0xFFFF  }
0x141: {  	p0 =	sne.s32 s0, $0x0;
	s0 =	rddreg [dreg:$0x3]  }
0x142: {  	s0 =	sadd.s32 @!p0 $0x100000, s0  }
0x143: {  	[sflag:s0] =	ssyncadd.tile.s32 @!p0 $0x1;
	_ =	shalt  }
.Lfunc_end2:
_tile_overlayer_lowered:
.L_overlay_start_2:
0x144: {  	(tag) =	ssettag $0x2  }
0x145: {  	s0 =	rddreg [dreg:$0x0];
	s2 =	stileid.u32  }
0x146: {  	s1 =	rddreg [dreg:$0x1];
	p0 =	sne.s32 s2, $0x0  }
0x147: {  	s3 =	rddreg [dreg:$0x2];
	[bflag:$0x3] =	sbarrier.arrive $0xFFFF;
	s2 =	simm.s32 @!p0 $0x1C03  }
0x148: {  	[timem:s3], [sflag:s2] =	dma.local @!p0 [hbm:s0], s1  }
0x149: {  	s0 =	simm.s32 @!p0 $0x3  }
0x14a: {  	_ =	swait.ge @!p0 [sflag:s0], s1  }
0x14b: {  	s1 =	ssub.s32 @!p0 $0x0, s1;
	[sflag:s0] =	ssyncset.done @!p0 $0x0  }
0x14c: {  	[sflag:s0] =	ssyncadd.s32 @!p0 s1  }
0x14d: {  	[bflag:$0x3] =	sbarrier.arrive $0xFFFF  }
0x14e: {  	_ =	shalt  }

</sc_bundles>
